<compile_context>
chip_gen: v7x
topology: tpu7x:2x2x1
jax: 0.10.2.dev20260603
libtpu: 0.0.44.dev20260713+nightly
codegen_flags: <defaults>
</compile_context>

<pallas_src>
import functools

import jax
import jax.numpy as jnp
from jax import lax
from jax.experimental import pallas as pl
from jax.experimental.pallas import tpu as pltpu
from jax.experimental.pallas import tpu_sc as plsc

N = 10000
E = 320000
D = 128
NC = 2
NS = 16
NW = NC * NS
CHUNK = 128
NCH = 80
EPW = NCH * CHUNK
EPAD = NW * EPW
NB = 10240
RPT = NB // NS
ORPT = N // NS

_mesh = plsc.VectorSubcoreMesh(core_axis_name="c", subcore_axis_name="s")
_sc_params = pltpu.CompilerParams(needs_layout_passes=False)
_sc_params_notc = pltpu.CompilerParams(needs_layout_passes=False,
                                       use_tc_tiling_on_sc=False)


@functools.partial(
    pl.kernel,
    out_type=jax.ShapeDtypeStruct((NW, NB), jnp.float32),
    mesh=_mesh,
    scratch_types=[
        pltpu.VMEM((NCH, CHUNK), jnp.int32),
        pltpu.VMEM((NB,), jnp.float32),
    ],
    compiler_params=_sc_params,
)
def _deg_kernel(dst_hbm, out_hbm, dst_v, hist_v):
    wid = lax.axis_index("c") * NS + lax.axis_index("s")
    pltpu.sync_copy(dst_hbm.at[wid], dst_v)
    zeros16 = jnp.zeros((16,), jnp.float32)

    def zero_body(i, _):
        hist_v[pl.ds(i * 16, 16)] = zeros16
        return _

    lax.fori_loop(0, NB // 16, zero_body, 0)
    ones16 = jnp.ones((16,), jnp.float32)

    def edge_body(j, _):
        for k in range(CHUNK // 16):
            idx = dst_v[j, pl.ds(k * 16, 16)]
            plsc.addupdate_scatter(hist_v, [idx], ones16)
        return _

    lax.fori_loop(0, NCH, edge_body, 0)
    pltpu.sync_copy(hist_v, out_hbm.at[wid])


DH = D // NC
NCH2 = EPAD // (NS * CHUNK)
NBUF = 4
RPT2 = NB // NS


@functools.partial(
    pl.kernel,
    out_type=(jax.ShapeDtypeStruct((NB, DH), jnp.float32),
              jax.ShapeDtypeStruct((NB, DH), jnp.float32)),
    mesh=_mesh,
    scratch_types=[
        pltpu.VMEM((NCH2, CHUNK), jnp.int32),
        pltpu.VMEM((NCH2, CHUNK), jnp.int32),
        pltpu.VMEM((NBUF, CHUNK, DH), jnp.float32),
        pltpu.VMEM_SHARED((NB, DH), jnp.float32),
        pltpu.SemaphoreType.DMA,
        pltpu.SemaphoreType.DMA,
        pltpu.SemaphoreType.DMA,
        pltpu.SemaphoreType.DMA,
    ],
    compiler_params=_sc_params_notc,
)
def _rowagg_kernel(src_hbm, dst_hbm, g0_hbm, g1_hbm, out0_hbm, out1_hbm,
                   src_v, dst_v, rows_v, acc_sh,
                   gsem0, gsem1, gsem2, gsem3):
    cid = lax.axis_index("c")
    sid = lax.axis_index("s")
    gsems = (gsem0, gsem1, gsem2, gsem3)

    pltpu.sync_copy(src_hbm.at[sid], src_v)
    pltpu.sync_copy(dst_hbm.at[sid], dst_v)

    zeros16 = jnp.zeros((16,), jnp.float32)

    def zbuf_body(i, _):
        rows_v[0, i // (DH // 16), pl.ds((i % (DH // 16)) * 16, 16)] = zeros16
        return _

    lax.fori_loop(0, CHUNK * (DH // 16), zbuf_body, 0)
    for i in range(RPT2 // CHUNK):
        pltpu.sync_copy(rows_v.at[0],
                        acc_sh.at[pl.ds(sid * RPT2 + i * CHUNK, CHUNK)])
    plsc.subcore_barrier()

    def gstart(t, b):
        @pl.when(cid == 0)
        def _g0():
            pltpu.async_copy(g0_hbm.at[src_v.at[t]], rows_v.at[b], gsems[b])

        @pl.when(cid == 1)
        def _g1():
            pltpu.async_copy(g1_hbm.at[src_v.at[t]], rows_v.at[b], gsems[b])

    for b in range(NBUF):
        gstart(b, b)

    def quad_body(p, carry):
        for b in range(NBUF):
            t = NBUF * p + b
            pltpu.make_async_copy(
                g0_hbm.at[src_v.at[0]], rows_v.at[b], gsems[b]).wait()
            pltpu.sync_copy(rows_v.at[b], acc_sh.at[dst_v.at[t]], add=True)

            @pl.when(t + NBUF < NCH2)
            def _next(b=b, t=t):
                gstart(t + NBUF, b)
        return carry

    lax.fori_loop(0, NCH2 // NBUF, quad_body, 0)
    plsc.subcore_barrier()

    @pl.when(cid == 0)
    def _store0():
        pltpu.sync_copy(acc_sh.at[pl.ds(sid * RPT2, RPT2)],
                        out0_hbm.at[pl.ds(sid * RPT2, RPT2)])

    @pl.when(cid == 1)
    def _store1():
        pltpu.sync_copy(acc_sh.at[pl.ds(sid * RPT2, RPT2)],
                        out1_hbm.at[pl.ds(sid * RPT2, RPT2)])


@functools.partial(
    pl.kernel,
    out_type=jax.ShapeDtypeStruct((NW, NB), jnp.float32),
    mesh=_mesh,
    scratch_types=[
        pltpu.VMEM((NCH, CHUNK), jnp.int32),
        pltpu.VMEM((NCH, CHUNK), jnp.int32),
        pltpu.VMEM((NB,), jnp.float32),
        pltpu.VMEM((NB,), jnp.float32),
    ],
    compiler_params=_sc_params,
)
def _scalagg_kernel(src_hbm, dst_hbm, g2_hbm, out_hbm,
                    src_v, dst_v, tab_v, acc_v):
    wid = lax.axis_index("c") * NS + lax.axis_index("s")
    pltpu.sync_copy(src_hbm.at[wid], src_v)
    pltpu.sync_copy(dst_hbm.at[wid], dst_v)
    pltpu.sync_copy(g2_hbm, tab_v)
    zeros16 = jnp.zeros((16,), jnp.float32)

    def zero_body(i, _):
        acc_v[pl.ds(i * 16, 16)] = zeros16
        return _

    lax.fori_loop(0, NB // 16, zero_body, 0)

    def edge_body(j, _):
        for k in range(CHUNK // 16):
            s = src_v[j, pl.ds(k * 16, 16)]
            d = dst_v[j, pl.ds(k * 16, 16)]
            vals = plsc.load_gather(tab_v, [s])
            plsc.addupdate_scatter(acc_v, [d], vals)
        return _

    lax.fori_loop(0, NCH, edge_body, 0)
    pltpu.sync_copy(acc_v, out_hbm.at[wid])


def _mm_scale_body(x_ref, w_ref, degp_ref, g0_ref, g1_ref):
    deg = jnp.sum(degp_ref[...], axis=1) + 1.0
    dinv = lax.rsqrt(deg)
    h = jnp.dot(x_ref[...], w_ref[...], preferred_element_type=jnp.float32)
    hd = h * dinv[:, None]
    g0_ref[...] = hd[:, :DH]
    g1_ref[...] = hd[:, DH:]


def _mm_scale(x, W1, degp):
    R = 1000
    return pl.pallas_call(
        _mm_scale_body,
        grid=(N // R,),
        in_specs=[
            pl.BlockSpec((R, D), lambda i: (i, 0)),
            pl.BlockSpec((D, D), lambda i: (0, 0)),
            pl.BlockSpec((R, NW), lambda i: (i, 0)),
        ],
        out_specs=[
            pl.BlockSpec((R, DH), lambda i: (i, 0)),
            pl.BlockSpec((R, DH), lambda i: (i, 0)),
        ],
        out_shape=[
            jax.ShapeDtypeStruct((NB, DH), jnp.float32),
            jax.ShapeDtypeStruct((NB, DH), jnp.float32),
        ],
    )(x, W1, degp)


def _layer2_body(p0_ref, p1_ref, g0_ref, g1_ref, degp_ref, b1_ref, w2_ref,
                 g2_ref):
    deg = jnp.sum(degp_ref[...], axis=1) + 1.0
    dinv = lax.rsqrt(deg)
    acc = jnp.concatenate(
        [p0_ref[...] + g0_ref[...], p1_ref[...] + g1_ref[...]], axis=1)
    out1 = jnp.maximum(acc * dinv[:, None] + b1_ref[...], 0.0)
    h2 = jnp.dot(out1, w2_ref[...], preferred_element_type=jnp.float32)
    g2_ref[...] = h2 * dinv[:, None]


def _layer2(P0, P1, g0, g1, degp, b1, W2):
    R = 1000
    half = pl.BlockSpec((R, DH), lambda i: (i, 0))
    return pl.pallas_call(
        _layer2_body,
        grid=(N // R,),
        in_specs=[
            half, half, half, half,
            pl.BlockSpec((R, NW), lambda i: (i, 0)),
            pl.BlockSpec((1, D), lambda i: (0, 0)),
            pl.BlockSpec((D, 1), lambda i: (0, 0)),
        ],
        out_specs=pl.BlockSpec((R, 1), lambda i: (i, 0)),
        out_shape=jax.ShapeDtypeStruct((N, 1), jnp.float32),
    )(P0, P1, g0, g1, degp, b1, W2)


def _final_body(accp_ref, g2_ref, degp_ref, b2_ref, y_ref):
    deg = jnp.sum(degp_ref[...], axis=1) + 1.0
    dinv = lax.rsqrt(deg)
    val = (jnp.sum(accp_ref[...], axis=1) + g2_ref[..., 0]) * dinv + b2_ref[0, 0]
    y_ref[...] = (1.0 / (1.0 + jnp.exp(-val)))[:, None]


def _final(accp, g2, degp, b2):
    R = 1000
    return pl.pallas_call(
        _final_body,
        grid=(N // R,),
        in_specs=[
            pl.BlockSpec((R, NW), lambda i: (i, 0)),
            pl.BlockSpec((R, 1), lambda i: (i, 0)),
            pl.BlockSpec((R, NW), lambda i: (i, 0)),
            pl.BlockSpec((1, 1), lambda i: (0, 0)),
        ],
        out_specs=pl.BlockSpec((R, 1), lambda i: (i, 0)),
        out_shape=jax.ShapeDtypeStruct((N, 1), jnp.float32),
    )(accp, g2, degp, b2)


def kernel(x, edge_index, W1, b1, W2, b2):
    src = edge_index[0].astype(jnp.int32)
    dst = edge_index[1].astype(jnp.int32)
    pad = EPAD - E
    src_flat = jnp.concatenate([src, jnp.zeros((pad,), jnp.int32)])
    dst_flat = jnp.concatenate([dst, jnp.full((pad,), N, jnp.int32)])
    src_p = src_flat.reshape(NW, NCH, CHUNK)
    dst_p = dst_flat.reshape(NW, NCH, CHUNK)
    src_t = src_flat.reshape(NS, NCH2, CHUNK)
    dst_t = dst_flat.reshape(NS, NCH2, CHUNK)

    degp = _deg_kernel(dst_p)
    degp = degp[:, :N].T
    g0, g1 = _mm_scale(x, W1, degp)
    P0, P1 = _rowagg_kernel(src_t, dst_t, g0, g1)
    g2 = _layer2(P0, P1, g0, g1, degp,
                 b1.reshape(1, D), W2)
    g2t = jnp.pad(g2[:, 0], (0, NB - N))
    accp = _scalagg_kernel(src_p, dst_p, g2t)
    y = _final(accp[:, :N].T, g2, degp, b2.reshape(1, 1))
    return y

# --- scband reference (transcript-rebuilt; emitter-appended) ---
"""Pipeline reference for scband-gcnfraud-detector-26096221290644 (READ-ONLY COPY).

The authoritative reference and input builder live on the scoring server;
editing this copy changes nothing except your own understanding.
"""

import jax, jax.numpy as jnp
import numpy as np

N_NODES = 10000
N_EDGES = 320000
D_IN = 128
D_HID = 128
D_OUT = 1


def setup_inputs(seed: int = 0) -> dict:
    key = jax.random.key(seed)
    k1, k2, k3, k4, k5, k6 = jax.random.split(key, 6)
    x = jax.random.normal(k1, (N_NODES, D_IN), dtype=jnp.float32)
    edge_index = jax.random.randint(k2, (2, N_EDGES), 0, N_NODES, dtype=jnp.int64)
    # Glorot-ish init for GCN linear layers
    W1 = jax.random.normal(k3, (D_IN, D_HID), dtype=jnp.float32) * (1.0 / np.sqrt(D_IN))
    b1 = jnp.zeros((D_HID,), dtype=jnp.float32)
    W2 = jax.random.normal(k4, (D_HID, D_OUT), dtype=jnp.float32) * (1.0 / np.sqrt(D_HID))
    b2 = jnp.zeros((D_OUT,), dtype=jnp.float32)
    return {"x": x, "edge_index": edge_index, "W1": W1, "b1": b1, "W2": W2, "b2": b2}


def _gcn_conv(x, src, dst, W, b):
    # GCNConv: linear transform, then symmetric-normalized sum aggregation with self-loops
    n = x.shape[0]
    h = x @ W
    loop = jnp.arange(n, dtype=src.dtype)
    s = jnp.concatenate([src, loop])
    d = jnp.concatenate([dst, loop])
    deg = jnp.zeros((n,), dtype=h.dtype).at[d].add(1.0)
    dinv = jnp.where(deg > 0, jax.lax.rsqrt(deg), 0.0)
    norm = dinv[s] * dinv[d]
    msg = h[s] * norm[:, None]
    out = jnp.zeros_like(h).at[d].add(msg)
    return out + b


def reference(x, edge_index, W1, b1, W2, b2):
    src = edge_index[0]
    dst = edge_index[1]
    h = _gcn_conv(x, src, dst, W1, b1)
    h = jax.nn.relu(h)
    # dropout is identity in eval mode
    h = _gcn_conv(h, src, dst, W2, b2)
    return jax.nn.sigmoid(h)

if __name__ == "__main__":
    import jax
    _d = setup_inputs()
    print(jax.jit(kernel)(*tuple(_d.values())))

</pallas_src>

<mosaic_0001>
#map = affine_map<(d0, d1) -> (0, 0, 0)>
#map1 = affine_map<(d0, d1) -> (0, 0)>
module attributes {stable_mosaic.version = 14 : i64} {
  func.func @_deg_kernel(%arg0: i32, %arg1: i32, %arg2: memref<32x80x128xi32, #tpu.memory_space<hbm>>, %arg3: memref<32x10240xf32, #tpu.memory_space<hbm>>, %arg4: memref<80x128xi32, #tpu.memory_space<vmem>>, %arg5: memref<10240xf32, #tpu.memory_space<vmem>>) attributes {dimension_semantics = [#tpu.dimension_semantics<core_parallel>, #tpu.dimension_semantics<subcore_parallel>], iteration_bounds = array<i64: 2, 16>, scalar_prefetch = 0 : i64, scratch_operands = 2 : i64, tpu.core_type = #tpu.core_type<sc_vector_subcore>, window_params = [{transform_indices = #map}, {transform_indices = #map1}]} {
    %mul3A = arith.constant 16 : i32
    %mul3A_0 = arith.muli %arg0, %mul3A : i32
    %add3A = arith.addi %mul3A_0, %arg1 : i32
    "tpu.region"() ({
      %run_scoped3A = tpu.sem_alloc : memref<!tpu.dma_semaphore, #tpu.memory_space<semaphore_mem>>
      %dma_start3A = arith.constant 0 : i32
      %dma_start3A_15 = arith.constant 0 : i32
      %dma_start3A_16 = tpu.memref_slice %arg2[%add3A, %dma_start3A, %dma_start3A_15] : memref<32x80x128xi32, #tpu.memory_space<hbm>> -> memref<1x80x128xi32, #tpu.memory_space<hbm>>
      %dma_start3A_17 = tpu.memref_squeeze %dma_start3A_16 : memref<1x80x128xi32, #tpu.memory_space<hbm>> -> memref<80x128xi32, #tpu.memory_space<hbm>>
      %dma_start3A_18 = arith.constant 0 : i32
      %dma_start3A_19 = arith.constant 0 : i32
      %dma_start3A_20 = tpu.memref_slice %arg2[%add3A, %dma_start3A_18, %dma_start3A_19] : memref<32x80x128xi32, #tpu.memory_space<hbm>> -> memref<1x80x128xi32, #tpu.memory_space<hbm>>
      %dma_start3A_21 = tpu.memref_squeeze %dma_start3A_20 : memref<1x80x128xi32, #tpu.memory_space<hbm>> -> memref<80x128xi32, #tpu.memory_space<hbm>>
      tpu.enqueue_dma source(%dma_start3A_21 : memref<80x128xi32, #tpu.memory_space<hbm>>) target(%arg4 : memref<80x128xi32, #tpu.memory_space<vmem>>) target_semaphore(%run_scoped3A : memref<!tpu.dma_semaphore, #tpu.memory_space<semaphore_mem>>)
      %dma_wait3A = arith.constant 0 : i32
      %dma_wait3A_22 = arith.constant 0 : i32
      %dma_wait3A_23 = tpu.memref_slice %arg2[%add3A, %dma_wait3A, %dma_wait3A_22] : memref<32x80x128xi32, #tpu.memory_space<hbm>> -> memref<1x80x128xi32, #tpu.memory_space<hbm>>
      %dma_wait3A_24 = tpu.memref_squeeze %dma_wait3A_23 : memref<1x80x128xi32, #tpu.memory_space<hbm>> -> memref<80x128xi32, #tpu.memory_space<hbm>>
      %dma_wait3A_25 = arith.constant 0 : i32
      %dma_wait3A_26 = arith.constant 0 : i32
      %dma_wait3A_27 = tpu.memref_slice %arg2[%add3A, %dma_wait3A_25, %dma_wait3A_26] : memref<32x80x128xi32, #tpu.memory_space<hbm>> -> memref<1x80x128xi32, #tpu.memory_space<hbm>>
      %dma_wait3A_28 = tpu.memref_squeeze %dma_wait3A_27 : memref<1x80x128xi32, #tpu.memory_space<hbm>> -> memref<80x128xi32, #tpu.memory_space<hbm>>
      tpu.wait_dma2 semaphore(%run_scoped3A : memref<!tpu.dma_semaphore, #tpu.memory_space<semaphore_mem>>) src(%dma_wait3A_28 : memref<80x128xi32, #tpu.memory_space<hbm>>) dst(%arg4 : memref<80x128xi32, #tpu.memory_space<vmem>>)
      tpu.yield
    }) : () -> ()
    %broadcast_in_dim3A = arith.constant 0.000000e+00 : f32
    %broadcast_in_dim3A_1 = vector.broadcast %broadcast_in_dim3A : f32 to vector<16xf32>
    %scan3A = arith.constant 0 : i32
    %scan3A_2 = arith.constant 0 : i32
    %scan3A_3 = arith.constant 640 : i32
    %scan3A_4 = arith.addi %scan3A_2, %scan3A_3 : i32
    %scan3A_5 = arith.constant 1 : i32
    scf.for %scan3A_15 = %scan3A_2 to %scan3A_4 step %scan3A_5  : i32 {
      %mul3A_16 = arith.constant 16 : i32
      %mul3A_17 = arith.muli %scan3A_15, %mul3A_16 : i32
      %swap3A = arith.index_cast %mul3A_17 : i32 to index
      %swap3A_18 = tpu.vector_load %arg5[%swap3A] {strides = array<i32>} : memref<10240xf32, #tpu.memory_space<vmem>>, vector<16xf32>,
      tpu.vector_store %arg5[%swap3A], %broadcast_in_dim3A_1 {strides = array<i32>} : memref<10240xf32, #tpu.memory_space<vmem>>, vector<16xf32>,
    }
    %scan3A_6 = arith.constant 640 : i32
    %broadcast_in_dim3A_7 = arith.constant 1.000000e+00 : f32
    %broadcast_in_dim3A_8 = vector.broadcast %broadcast_in_dim3A_7 : f32 to vector<16xf32>
    %scan3A_9 = arith.constant 0 : i32
    %scan3A_10 = arith.constant 0 : i32
    %scan3A_11 = arith.constant 80 : i32
    %scan3A_12 = arith.addi %scan3A_10, %scan3A_11 : i32
    %scan3A_13 = arith.constant 1 : i32
    scf.for %scan3A_15 = %scan3A_10 to %scan3A_12 step %scan3A_13  : i32 {
      %get3A = arith.index_cast %scan3A_15 : i32 to index
      %get3A_16 = arith.constant 0 : index
      %get3A_17 = tpu.vector_load %arg4[%get3A, %get3A_16] {strides = array<i32>} : memref<80x128xi32, #tpu.memory_space<vmem>>, vector<16xi32>,
      tpu.vector_store_idx %arg5[%get3A_17], %broadcast_in_dim3A_8 {add = true} : memref<10240xf32, #tpu.memory_space<vmem>>[vector<16xi32>], vector<16xf32>,
      %get3A_18 = arith.index_cast %scan3A_15 : i32 to index
      %get3A_19 = arith.constant 16 : index
      %get3A_20 = tpu.vector_load %arg4[%get3A_18, %get3A_19] {strides = array<i32>} : memref<80x128xi32, #tpu.memory_space<vmem>>, vector<16xi32>,
      tpu.vector_store_idx %arg5[%get3A_20], %broadcast_in_dim3A_8 {add = true} : memref<10240xf32, #tpu.memory_space<vmem>>[vector<16xi32>], vector<16xf32>,
      %get3A_21 = arith.index_cast %scan3A_15 : i32 to index
      %get3A_22 = arith.constant 32 : index
      %get3A_23 = tpu.vector_load %arg4[%get3A_21, %get3A_22] {strides = array<i32>} : memref<80x128xi32, #tpu.memory_space<vmem>>, vector<16xi32>,
      tpu.vector_store_idx %arg5[%get3A_23], %broadcast_in_dim3A_8 {add = true} : memref<10240xf32, #tpu.memory_space<vmem>>[vector<16xi32>], vector<16xf32>,
      %get3A_24 = arith.index_cast %scan3A_15 : i32 to index
      %get3A_25 = arith.constant 48 : index
      %get3A_26 = tpu.vector_load %arg4[%get3A_24, %get3A_25] {strides = array<i32>} : memref<80x128xi32, #tpu.memory_space<vmem>>, vector<16xi32>,
      tpu.vector_store_idx %arg5[%get3A_26], %broadcast_in_dim3A_8 {add = true} : memref<10240xf32, #tpu.memory_space<vmem>>[vector<16xi32>], vector<16xf32>,
      %get3A_27 = arith.index_cast %scan3A_15 : i32 to index
      %get3A_28 = arith.constant 64 : index
      %get3A_29 = tpu.vector_load %arg4[%get3A_27, %get3A_28] {strides = array<i32>} : memref<80x128xi32, #tpu.memory_space<vmem>>, vector<16xi32>,
      tpu.vector_store_idx %arg5[%get3A_29], %broadcast_in_dim3A_8 {add = true} : memref<10240xf32, #tpu.memory_space<vmem>>[vector<16xi32>], vector<16xf32>,
      %get3A_30 = arith.index_cast %scan3A_15 : i32 to index
      %get3A_31 = arith.constant 80 : index
      %get3A_32 = tpu.vector_load %arg4[%get3A_30, %get3A_31] {strides = array<i32>} : memref<80x128xi32, #tpu.memory_space<vmem>>, vector<16xi32>,
      tpu.vector_store_idx %arg5[%get3A_32], %broadcast_in_dim3A_8 {add = true} : memref<10240xf32, #tpu.memory_space<vmem>>[vector<16xi32>], vector<16xf32>,
      %get3A_33 = arith.index_cast %scan3A_15 : i32 to index
      %get3A_34 = arith.constant 96 : index
      %get3A_35 = tpu.vector_load %arg4[%get3A_33, %get3A_34] {strides = array<i32>} : memref<80x128xi32, #tpu.memory_space<vmem>>, vector<16xi32>,
      tpu.vector_store_idx %arg5[%get3A_35], %broadcast_in_dim3A_8 {add = true} : memref<10240xf32, #tpu.memory_space<vmem>>[vector<16xi32>], vector<16xf32>,
      %get3A_36 = arith.index_cast %scan3A_15 : i32 to index
      %get3A_37 = arith.constant 112 : index
      %get3A_38 = tpu.vector_load %arg4[%get3A_36, %get3A_37] {strides = array<i32>} : memref<80x128xi32, #tpu.memory_space<vmem>>, vector<16xi32>,
      tpu.vector_store_idx %arg5[%get3A_38], %broadcast_in_dim3A_8 {add = true} : memref<10240xf32, #tpu.memory_space<vmem>>[vector<16xi32>], vector<16xf32>,
    }
    %scan3A_14 = arith.constant 80 : i32
    "tpu.region"() ({
      %run_scoped3A = tpu.sem_alloc : memref<!tpu.dma_semaphore, #tpu.memory_space<semaphore_mem>>
      %dma_start3A = arith.constant 0 : i32
      %dma_start3A_15 = tpu.memref_slice %arg3[%add3A, %dma_start3A] : memref<32x10240xf32, #tpu.memory_space<hbm>> -> memref<1x10240xf32, #tpu.memory_space<hbm>>
      %dma_start3A_16 = tpu.memref_squeeze %dma_start3A_15 : memref<1x10240xf32, #tpu.memory_space<hbm>> -> memref<10240xf32, #tpu.memory_space<hbm>>
      %dma_start3A_17 = arith.constant 0 : i32
      %dma_start3A_18 = tpu.memref_slice %arg3[%add3A, %dma_start3A_17] : memref<32x10240xf32, #tpu.memory_space<hbm>> -> memref<1x10240xf32, #tpu.memory_space<hbm>>
      %dma_start3A_19 = tpu.memref_squeeze %dma_start3A_18 : memref<1x10240xf32, #tpu.memory_space<hbm>> -> memref<10240xf32, #tpu.memory_space<hbm>>
      tpu.enqueue_dma source(%arg5 : memref<10240xf32, #tpu.memory_space<vmem>>) target(%dma_start3A_19 : memref<10240xf32, #tpu.memory_space<hbm>>) target_semaphore(%run_scoped3A : memref<!tpu.dma_semaphore, #tpu.memory_space<semaphore_mem>>)
      %dma_wait3A = arith.constant 0 : i32
      %dma_wait3A_20 = tpu.memref_slice %arg3[%add3A, %dma_wait3A] : memref<32x10240xf32, #tpu.memory_space<hbm>> -> memref<1x10240xf32, #tpu.memory_space<hbm>>
      %dma_wait3A_21 = tpu.memref_squeeze %dma_wait3A_20 : memref<1x10240xf32, #tpu.memory_space<hbm>> -> memref<10240xf32, #tpu.memory_space<hbm>>
      %dma_wait3A_22 = arith.constant 0 : i32
      %dma_wait3A_23 = tpu.memref_slice %arg3[%add3A, %dma_wait3A_22] : memref<32x10240xf32, #tpu.memory_space<hbm>> -> memref<1x10240xf32, #tpu.memory_space<hbm>>
      %dma_wait3A_24 = tpu.memref_squeeze %dma_wait3A_23 : memref<1x10240xf32, #tpu.memory_space<hbm>> -> memref<10240xf32, #tpu.memory_space<hbm>>
      tpu.wait_dma2 semaphore(%run_scoped3A : memref<!tpu.dma_semaphore, #tpu.memory_space<semaphore_mem>>) src(%arg5 : memref<10240xf32, #tpu.memory_space<vmem>>) dst(%dma_wait3A_24 : memref<10240xf32, #tpu.memory_space<hbm>>)
      tpu.yield
    }) : () -> ()
    return
  }
}

#map = affine_map<(d0, d1) -> (0, 0, 0)>
#map1 = affine_map<(d0, d1) -> (0)>
#map2 = affine_map<(d0, d1) -> (0, 0)>
module attributes {stable_mosaic.version = 14 : i64} {
  func.func @_scalagg_kernel(%arg0: i32, %arg1: i32, %arg2: memref<32x80x128xi32, #tpu.memory_space<hbm>>, %arg3: memref<32x80x128xi32, #tpu.memory_space<hbm>>, %arg4: memref<10240xf32, #tpu.memory_space<hbm>>, %arg5: memref<32x10240xf32, #tpu.memory_space<hbm>>, %arg6: memref<80x128xi32, #tpu.memory_space<vmem>>, %arg7: memref<80x128xi32, #tpu.memory_space<vmem>>, %arg8: memref<10240xf32, #tpu.memory_space<vmem>>, %arg9: memref<10240xf32, #tpu.memory_space<vmem>>) attributes {dimension_semantics = [#tpu.dimension_semantics<core_parallel>, #tpu.dimension_semantics<subcore_parallel>], iteration_bounds = array<i64: 2, 16>, scalar_prefetch = 0 : i64, scratch_operands = 4 : i64, tpu.core_type = #tpu.core_type<sc_vector_subcore>, window_params = [{transform_indices = #map}, {transform_indices = #map}, {transform_indices = #map1}, {transform_indices = #map2}]} {
    %mul3A = arith.constant 16 : i32
    %mul3A_0 = arith.muli %arg0, %mul3A : i32
    %add3A = arith.addi %mul3A_0, %arg1 : i32
    "tpu.region"() ({
      %run_scoped3A = tpu.sem_alloc : memref<!tpu.dma_semaphore, #tpu.memory_space<semaphore_mem>>
      %dma_start3A = arith.constant 0 : i32
      %dma_start3A_13 = arith.constant 0 : i32
      %dma_start3A_14 = tpu.memref_slice %arg2[%add3A, %dma_start3A, %dma_start3A_13] : memref<32x80x128xi32, #tpu.memory_space<hbm>> -> memref<1x80x128xi32, #tpu.memory_space<hbm>>
      %dma_start3A_15 = tpu.memref_squeeze %dma_start3A_14 : memref<1x80x128xi32, #tpu.memory_space<hbm>> -> memref<80x128xi32, #tpu.memory_space<hbm>>
      %dma_start3A_16 = arith.constant 0 : i32
      %dma_start3A_17 = arith.constant 0 : i32
      %dma_start3A_18 = tpu.memref_slice %arg2[%add3A, %dma_start3A_16, %dma_start3A_17] : memref<32x80x128xi32, #tpu.memory_space<hbm>> -> memref<1x80x128xi32, #tpu.memory_space<hbm>>
      %dma_start3A_19 = tpu.memref_squeeze %dma_start3A_18 : memref<1x80x128xi32, #tpu.memory_space<hbm>> -> memref<80x128xi32, #tpu.memory_space<hbm>>
      tpu.enqueue_dma source(%dma_start3A_19 : memref<80x128xi32, #tpu.memory_space<hbm>>) target(%arg6 : memref<80x128xi32, #tpu.memory_space<vmem>>) target_semaphore(%run_scoped3A : memref<!tpu.dma_semaphore, #tpu.memory_space<semaphore_mem>>)
      %dma_wait3A = arith.constant 0 : i32
      %dma_wait3A_20 = arith.constant 0 : i32
      %dma_wait3A_21 = tpu.memref_slice %arg2[%add3A, %dma_wait3A, %dma_wait3A_20] : memref<32x80x128xi32, #tpu.memory_space<hbm>> -> memref<1x80x128xi32, #tpu.memory_space<hbm>>
      %dma_wait3A_22 = tpu.memref_squeeze %dma_wait3A_21 : memref<1x80x128xi32, #tpu.memory_space<hbm>> -> memref<80x128xi32, #tpu.memory_space<hbm>>
      %dma_wait3A_23 = arith.constant 0 : i32
      %dma_wait3A_24 = arith.constant 0 : i32
      %dma_wait3A_25 = tpu.memref_slice %arg2[%add3A, %dma_wait3A_23, %dma_wait3A_24] : memref<32x80x128xi32, #tpu.memory_space<hbm>> -> memref<1x80x128xi32, #tpu.memory_space<hbm>>
      %dma_wait3A_26 = tpu.memref_squeeze %dma_wait3A_25 : memref<1x80x128xi32, #tpu.memory_space<hbm>> -> memref<80x128xi32, #tpu.memory_space<hbm>>
      tpu.wait_dma2 semaphore(%run_scoped3A : memref<!tpu.dma_semaphore, #tpu.memory_space<semaphore_mem>>) src(%dma_wait3A_26 : memref<80x128xi32, #tpu.memory_space<hbm>>) dst(%arg6 : memref<80x128xi32, #tpu.memory_space<vmem>>)
      tpu.yield
    }) : () -> ()
    "tpu.region"() ({
      %run_scoped3A = tpu.sem_alloc : memref<!tpu.dma_semaphore, #tpu.memory_space<semaphore_mem>>
      %dma_start3A = arith.constant 0 : i32
      %dma_start3A_13 = arith.constant 0 : i32
      %dma_start3A_14 = tpu.memref_slice %arg3[%add3A, %dma_start3A, %dma_start3A_13] : memref<32x80x128xi32, #tpu.memory_space<hbm>> -> memref<1x80x128xi32, #tpu.memory_space<hbm>>
      %dma_start3A_15 = tpu.memref_squeeze %dma_start3A_14 : memref<1x80x128xi32, #tpu.memory_space<hbm>> -> memref<80x128xi32, #tpu.memory_space<hbm>>
      %dma_start3A_16 = arith.constant 0 : i32
      %dma_start3A_17 = arith.constant 0 : i32
      %dma_start3A_18 = tpu.memref_slice %arg3[%add3A, %dma_start3A_16, %dma_start3A_17] : memref<32x80x128xi32, #tpu.memory_space<hbm>> -> memref<1x80x128xi32, #tpu.memory_space<hbm>>
      %dma_start3A_19 = tpu.memref_squeeze %dma_start3A_18 : memref<1x80x128xi32, #tpu.memory_space<hbm>> -> memref<80x128xi32, #tpu.memory_space<hbm>>
      tpu.enqueue_dma source(%dma_start3A_19 : memref<80x128xi32, #tpu.memory_space<hbm>>) target(%arg7 : memref<80x128xi32, #tpu.memory_space<vmem>>) target_semaphore(%run_scoped3A : memref<!tpu.dma_semaphore, #tpu.memory_space<semaphore_mem>>)
      %dma_wait3A = arith.constant 0 : i32
      %dma_wait3A_20 = arith.constant 0 : i32
      %dma_wait3A_21 = tpu.memref_slice %arg3[%add3A, %dma_wait3A, %dma_wait3A_20] : memref<32x80x128xi32, #tpu.memory_space<hbm>> -> memref<1x80x128xi32, #tpu.memory_space<hbm>>
      %dma_wait3A_22 = tpu.memref_squeeze %dma_wait3A_21 : memref<1x80x128xi32, #tpu.memory_space<hbm>> -> memref<80x128xi32, #tpu.memory_space<hbm>>
      %dma_wait3A_23 = arith.constant 0 : i32
      %dma_wait3A_24 = arith.constant 0 : i32
      %dma_wait3A_25 = tpu.memref_slice %arg3[%add3A, %dma_wait3A_23, %dma_wait3A_24] : memref<32x80x128xi32, #tpu.memory_space<hbm>> -> memref<1x80x128xi32, #tpu.memory_space<hbm>>
      %dma_wait3A_26 = tpu.memref_squeeze %dma_wait3A_25 : memref<1x80x128xi32, #tpu.memory_space<hbm>> -> memref<80x128xi32, #tpu.memory_space<hbm>>
      tpu.wait_dma2 semaphore(%run_scoped3A : memref<!tpu.dma_semaphore, #tpu.memory_space<semaphore_mem>>) src(%dma_wait3A_26 : memref<80x128xi32, #tpu.memory_space<hbm>>) dst(%arg7 : memref<80x128xi32, #tpu.memory_space<vmem>>)
      tpu.yield
    }) : () -> ()
    "tpu.region"() ({
      %run_scoped3A = tpu.sem_alloc : memref<!tpu.dma_semaphore, #tpu.memory_space<semaphore_mem>>
      tpu.enqueue_dma source(%arg4 : memref<10240xf32, #tpu.memory_space<hbm>>) target(%arg8 : memref<10240xf32, #tpu.memory_space<vmem>>) target_semaphore(%run_scoped3A : memref<!tpu.dma_semaphore, #tpu.memory_space<semaphore_mem>>)
      tpu.wait_dma2 semaphore(%run_scoped3A : memref<!tpu.dma_semaphore, #tpu.memory_space<semaphore_mem>>) src(%arg4 : memref<10240xf32, #tpu.memory_space<hbm>>) dst(%arg8 : memref<10240xf32, #tpu.memory_space<vmem>>)
      tpu.yield
    }) : () -> ()
    %broadcast_in_dim3A = arith.constant 0.000000e+00 : f32
    %broadcast_in_dim3A_1 = vector.broadcast %broadcast_in_dim3A : f32 to vector<16xf32>
    %scan3A = arith.constant 0 : i32
    %scan3A_2 = arith.constant 0 : i32
    %scan3A_3 = arith.constant 640 : i32
    %scan3A_4 = arith.addi %scan3A_2, %scan3A_3 : i32
    %scan3A_5 = arith.constant 1 : i32
    scf.for %scan3A_13 = %scan3A_2 to %scan3A_4 step %scan3A_5  : i32 {
      %mul3A_14 = arith.constant 16 : i32
      %mul3A_15 = arith.muli %scan3A_13, %mul3A_14 : i32
      %swap3A = arith.index_cast %mul3A_15 : i32 to index
      %swap3A_16 = tpu.vector_load %arg9[%swap3A] {strides = array<i32>} : memref<10240xf32, #tpu.memory_space<vmem>>, vector<16xf32>,
      tpu.vector_store %arg9[%swap3A], %broadcast_in_dim3A_1 {strides = array<i32>} : memref<10240xf32, #tpu.memory_space<vmem>>, vector<16xf32>,
    }
    %scan3A_6 = arith.constant 640 : i32
    %scan3A_7 = arith.constant 0 : i32
    %scan3A_8 = arith.constant 0 : i32
    %scan3A_9 = arith.constant 80 : i32
    %scan3A_10 = arith.addi %scan3A_8, %scan3A_9 : i32
    %scan3A_11 = arith.constant 1 : i32
    scf.for %scan3A_13 = %scan3A_8 to %scan3A_10 step %scan3A_11  : i32 {
      %get3A = arith.index_cast %scan3A_13 : i32 to index
      %get3A_14 = arith.constant 0 : index
      %get3A_15 = tpu.vector_load %arg6[%get3A, %get3A_14] {strides = array<i32>} : memref<80x128xi32, #tpu.memory_space<vmem>>, vector<16xi32>,
      %get3A_16 = arith.index_cast %scan3A_13 : i32 to index
      %get3A_17 = arith.constant 0 : index
      %get3A_18 = tpu.vector_load %arg7[%get3A_16, %get3A_17] {strides = array<i32>} : memref<80x128xi32, #tpu.memory_space<vmem>>, vector<16xi32>,
      %gather3A = tpu.vector_load_idx %arg8[%get3A_15] : memref<10240xf32, #tpu.memory_space<vmem>>[vector<16xi32>], vector<16xf32>,
      tpu.vector_store_idx %arg9[%get3A_18], %gather3A {add = true} : memref<10240xf32, #tpu.memory_space<vmem>>[vector<16xi32>], vector<16xf32>,
      %get3A_19 = arith.index_cast %scan3A_13 : i32 to index
      %get3A_20 = arith.constant 16 : index
      %get3A_21 = tpu.vector_load %arg6[%get3A_19, %get3A_20] {strides = array<i32>} : memref<80x128xi32, #tpu.memory_space<vmem>>, vector<16xi32>,
      %get3A_22 = arith.index_cast %scan3A_13 : i32 to index
      %get3A_23 = arith.constant 16 : index
      %get3A_24 = tpu.vector_load %arg7[%get3A_22, %get3A_23] {strides = array<i32>} : memref<80x128xi32, #tpu.memory_space<vmem>>, vector<16xi32>,
      %gather3A_25 = tpu.vector_load_idx %arg8[%get3A_21] : memref<10240xf32, #tpu.memory_space<vmem>>[vector<16xi32>], vector<16xf32>,
      tpu.vector_store_idx %arg9[%get3A_24], %gather3A_25 {add = true} : memref<10240xf32, #tpu.memory_space<vmem>>[vector<16xi32>], vector<16xf32>,
      %get3A_26 = arith.index_cast %scan3A_13 : i32 to index
      %get3A_27 = arith.constant 32 : index
      %get3A_28 = tpu.vector_load %arg6[%get3A_26, %get3A_27] {strides = array<i32>} : memref<80x128xi32, #tpu.memory_space<vmem>>, vector<16xi32>,
      %get3A_29 = arith.index_cast %scan3A_13 : i32 to index
      %get3A_30 = arith.constant 32 : index
      %get3A_31 = tpu.vector_load %arg7[%get3A_29, %get3A_30] {strides = array<i32>} : memref<80x128xi32, #tpu.memory_space<vmem>>, vector<16xi32>,
      %gather3A_32 = tpu.vector_load_idx %arg8[%get3A_28] : memref<10240xf32, #tpu.memory_space<vmem>>[vector<16xi32>], vector<16xf32>,
      tpu.vector_store_idx %arg9[%get3A_31], %gather3A_32 {add = true} : memref<10240xf32, #tpu.memory_space<vmem>>[vector<16xi32>], vector<16xf32>,
      %get3A_33 = arith.index_cast %scan3A_13 : i32 to index
      %get3A_34 = arith.constant 48 : index
      %get3A_35 = tpu.vector_load %arg6[%get3A_33, %get3A_34] {strides = array<i32>} : memref<80x128xi32, #tpu.memory_space<vmem>>, vector<16xi32>,
      %get3A_36 = arith.index_cast %scan3A_13 : i32 to index
      %get3A_37 = arith.constant 48 : index
      %get3A_38 = tpu.vector_load %arg7[%get3A_36, %get3A_37] {strides = array<i32>} : memref<80x128xi32, #tpu.memory_space<vmem>>, vector<16xi32>,
      %gather3A_39 = tpu.vector_load_idx %arg8[%get3A_35] : memref<10240xf32, #tpu.memory_space<vmem>>[vector<16xi32>], vector<16xf32>,
      tpu.vector_store_idx %arg9[%get3A_38], %gather3A_39 {add = true} : memref<10240xf32, #tpu.memory_space<vmem>>[vector<16xi32>], vector<16xf32>,
      %get3A_40 = arith.index_cast %scan3A_13 : i32 to index
      %get3A_41 = arith.constant 64 : index
      %get3A_42 = tpu.vector_load %arg6[%get3A_40, %get3A_41] {strides = array<i32>} : memref<80x128xi32, #tpu.memory_space<vmem>>, vector<16xi32>,
      %get3A_43 = arith.index_cast %scan3A_13 : i32 to index
      %get3A_44 = arith.constant 64 : index
      %get3A_45 = tpu.vector_load %arg7[%get3A_43, %get3A_44] {strides = array<i32>} : memref<80x128xi32, #tpu.memory_space<vmem>>, vector<16xi32>,
      %gather3A_46 = tpu.vector_load_idx %arg8[%get3A_42] : memref<10240xf32, #tpu.memory_space<vmem>>[vector<16xi32>], vector<16xf32>,
      tpu.vector_store_idx %arg9[%get3A_45], %gather3A_46 {add = true} : memref<10240xf32, #tpu.memory_space<vmem>>[vector<16xi32>], vector<16xf32>,
      %get3A_47 = arith.index_cast %scan3A_13 : i32 to index
      %get3A_48 = arith.constant 80 : index
      %get3A_49 = tpu.vector_load %arg6[%get3A_47, %get3A_48] {strides = array<i32>} : memref<80x128xi32, #tpu.memory_space<vmem>>, vector<16xi32>,
      %get3A_50 = arith.index_cast %scan3A_13 : i32 to index
      %get3A_51 = arith.constant 80 : index
      %get3A_52 = tpu.vector_load %arg7[%get3A_50, %get3A_51] {strides = array<i32>} : memref<80x128xi32, #tpu.memory_space<vmem>>, vector<16xi32>,
      %gather3A_53 = tpu.vector_load_idx %arg8[%get3A_49] : memref<10240xf32, #tpu.memory_space<vmem>>[vector<16xi32>], vector<16xf32>,
      tpu.vector_store_idx %arg9[%get3A_52], %gather3A_53 {add = true} : memref<10240xf32, #tpu.memory_space<vmem>>[vector<16xi32>], vector<16xf32>,
      %get3A_54 = arith.index_cast %scan3A_13 : i32 to index
      %get3A_55 = arith.constant 96 : index
      %get3A_56 = tpu.vector_load %arg6[%get3A_54, %get3A_55] {strides = array<i32>} : memref<80x128xi32, #tpu.memory_space<vmem>>, vector<16xi32>,
      %get3A_57 = arith.index_cast %scan3A_13 : i32 to index
      %get3A_58 = arith.constant 96 : index
      %get3A_59 = tpu.vector_load %arg7[%get3A_57, %get3A_58] {strides = array<i32>} : memref<80x128xi32, #tpu.memory_space<vmem>>, vector<16xi32>,
      %gather3A_60 = tpu.vector_load_idx %arg8[%get3A_56] : memref<10240xf32, #tpu.memory_space<vmem>>[vector<16xi32>], vector<16xf32>,
      tpu.vector_store_idx %arg9[%get3A_59], %gather3A_60 {add = true} : memref<10240xf32, #tpu.memory_space<vmem>>[vector<16xi32>], vector<16xf32>,
      %get3A_61 = arith.index_cast %scan3A_13 : i32 to index
      %get3A_62 = arith.constant 112 : index
      %get3A_63 = tpu.vector_load %arg6[%get3A_61, %get3A_62] {strides = array<i32>} : memref<80x128xi32, #tpu.memory_space<vmem>>, vector<16xi32>,
      %get3A_64 = arith.index_cast %scan3A_13 : i32 to index
      %get3A_65 = arith.constant 112 : index
      %get3A_66 = tpu.vector_load %arg7[%get3A_64, %get3A_65] {strides = array<i32>} : memref<80x128xi32, #tpu.memory_space<vmem>>, vector<16xi32>,
      %gather3A_67 = tpu.vector_load_idx %arg8[%get3A_63] : memref<10240xf32, #tpu.memory_space<vmem>>[vector<16xi32>], vector<16xf32>,
      tpu.vector_store_idx %arg9[%get3A_66], %gather3A_67 {add = true} : memref<10240xf32, #tpu.memory_space<vmem>>[vector<16xi32>], vector<16xf32>,
    }
    %scan3A_12 = arith.constant 80 : i32
    "tpu.region"() ({
      %run_scoped3A = tpu.sem_alloc : memref<!tpu.dma_semaphore, #tpu.memory_space<semaphore_mem>>
      %dma_start3A = arith.constant 0 : i32
      %dma_start3A_13 = tpu.memref_slice %arg5[%add3A, %dma_start3A] : memref<32x10240xf32, #tpu.memory_space<hbm>> -> memref<1x10240xf32, #tpu.memory_space<hbm>>
      %dma_start3A_14 = tpu.memref_squeeze %dma_start3A_13 : memref<1x10240xf32, #tpu.memory_space<hbm>> -> memref<10240xf32, #tpu.memory_space<hbm>>
      %dma_start3A_15 = arith.constant 0 : i32
      %dma_start3A_16 = tpu.memref_slice %arg5[%add3A, %dma_start3A_15] : memref<32x10240xf32, #tpu.memory_space<hbm>> -> memref<1x10240xf32, #tpu.memory_space<hbm>>
      %dma_start3A_17 = tpu.memref_squeeze %dma_start3A_16 : memref<1x10240xf32, #tpu.memory_space<hbm>> -> memref<10240xf32, #tpu.memory_space<hbm>>
      tpu.enqueue_dma source(%arg9 : memref<10240xf32, #tpu.memory_space<vmem>>) target(%dma_start3A_17 : memref<10240xf32, #tpu.memory_space<hbm>>) target_semaphore(%run_scoped3A : memref<!tpu.dma_semaphore, #tpu.memory_space<semaphore_mem>>)
      %dma_wait3A = arith.constant 0 : i32
      %dma_wait3A_18 = tpu.memref_slice %arg5[%add3A, %dma_wait3A] : memref<32x10240xf32, #tpu.memory_space<hbm>> -> memref<1x10240xf32, #tpu.memory_space<hbm>>
      %dma_wait3A_19 = tpu.memref_squeeze %dma_wait3A_18 : memref<1x10240xf32, #tpu.memory_space<hbm>> -> memref<10240xf32, #tpu.memory_space<hbm>>
      %dma_wait3A_20 = arith.constant 0 : i32
      %dma_wait3A_21 = tpu.memref_slice %arg5[%add3A, %dma_wait3A_20] : memref<32x10240xf32, #tpu.memory_space<hbm>> -> memref<1x10240xf32, #tpu.memory_space<hbm>>
      %dma_wait3A_22 = tpu.memref_squeeze %dma_wait3A_21 : memref<1x10240xf32, #tpu.memory_space<hbm>> -> memref<10240xf32, #tpu.memory_space<hbm>>
      tpu.wait_dma2 semaphore(%run_scoped3A : memref<!tpu.dma_semaphore, #tpu.memory_space<semaphore_mem>>) src(%arg9 : memref<10240xf32, #tpu.memory_space<vmem>>) dst(%dma_wait3A_22 : memref<10240xf32, #tpu.memory_space<hbm>>)
      tpu.yield
    }) : () -> ()
    return
  }
}

#map = affine_map<(d0, d1) -> (0, 0, 0)>
#map1 = affine_map<(d0, d1) -> (0, 0)>
module attributes {stable_mosaic.version = 14 : i64} {
  func.func @_rowagg_kernel(%arg0: i32, %arg1: i32, %arg2: memref<16x160x128xi32, #tpu.memory_space<hbm>>, %arg3: memref<16x160x128xi32, #tpu.memory_space<hbm>>, %arg4: memref<10240x64xf32, #tpu.memory_space<hbm>>, %arg5: memref<10240x64xf32, #tpu.memory_space<hbm>>, %arg6: memref<10240x64xf32, #tpu.memory_space<hbm>>, %arg7: memref<10240x64xf32, #tpu.memory_space<hbm>>, %arg8: memref<160x128xi32, #tpu.memory_space<vmem>>, %arg9: memref<160x128xi32, #tpu.memory_space<vmem>>, %arg10: memref<4x128x64xf32, #tpu.memory_space<vmem>>, %arg11: memref<10240x64xf32, #tpu.memory_space<vmem_shared>>, %arg12: memref<!tpu.dma_semaphore, #tpu.memory_space<semaphore_mem>>, %arg13: memref<!tpu.dma_semaphore, #tpu.memory_space<semaphore_mem>>, %arg14: memref<!tpu.dma_semaphore, #tpu.memory_space<semaphore_mem>>, %arg15: memref<!tpu.dma_semaphore, #tpu.memory_space<semaphore_mem>>) attributes {dimension_semantics = [#tpu.dimension_semantics<core_parallel>, #tpu.dimension_semantics<subcore_parallel>], iteration_bounds = array<i64: 2, 16>, scalar_prefetch = 0 : i64, scratch_operands = 8 : i64, tpu.core_type = #tpu.core_type<sc_vector_subcore>, window_params = [{transform_indices = #map}, {transform_indices = #map}, {transform_indices = #map1}, {transform_indices = #map1}, {transform_indices = #map1}, {transform_indices = #map1}]} {
    "tpu.region"() ({
      %run_scoped3A_82 = tpu.sem_alloc : memref<!tpu.dma_semaphore, #tpu.memory_space<semaphore_mem>>
      %dma_start3A = arith.constant 0 : i32
      %dma_start3A_83 = arith.constant 0 : i32
      %dma_start3A_84 = tpu.memref_slice %arg2[%arg1, %dma_start3A, %dma_start3A_83] : memref<16x160x128xi32, #tpu.memory_space<hbm>> -> memref<1x160x128xi32, #tpu.memory_space<hbm>>
      %dma_start3A_85 = tpu.memref_squeeze %dma_start3A_84 : memref<1x160x128xi32, #tpu.memory_space<hbm>> -> memref<160x128xi32, #tpu.memory_space<hbm>>
      %dma_start3A_86 = arith.constant 0 : i32
      %dma_start3A_87 = arith.constant 0 : i32
      %dma_start3A_88 = tpu.memref_slice %arg2[%arg1, %dma_start3A_86, %dma_start3A_87] : memref<16x160x128xi32, #tpu.memory_space<hbm>> -> memref<1x160x128xi32, #tpu.memory_space<hbm>>
      %dma_start3A_89 = tpu.memref_squeeze %dma_start3A_88 : memref<1x160x128xi32, #tpu.memory_space<hbm>> -> memref<160x128xi32, #tpu.memory_space<hbm>>
      tpu.enqueue_dma source(%dma_start3A_89 : memref<160x128xi32, #tpu.memory_space<hbm>>) target(%arg8 : memref<160x128xi32, #tpu.memory_space<vmem>>) target_semaphore(%run_scoped3A_82 : memref<!tpu.dma_semaphore, #tpu.memory_space<semaphore_mem>>)
      %dma_wait3A = arith.constant 0 : i32
      %dma_wait3A_90 = arith.constant 0 : i32
      %dma_wait3A_91 = tpu.memref_slice %arg2[%arg1, %dma_wait3A, %dma_wait3A_90] : memref<16x160x128xi32, #tpu.memory_space<hbm>> -> memref<1x160x128xi32, #tpu.memory_space<hbm>>
      %dma_wait3A_92 = tpu.memref_squeeze %dma_wait3A_91 : memref<1x160x128xi32, #tpu.memory_space<hbm>> -> memref<160x128xi32, #tpu.memory_space<hbm>>
      %dma_wait3A_93 = arith.constant 0 : i32
      %dma_wait3A_94 = arith.constant 0 : i32
      %dma_wait3A_95 = tpu.memref_slice %arg2[%arg1, %dma_wait3A_93, %dma_wait3A_94] : memref<16x160x128xi32, #tpu.memory_space<hbm>> -> memref<1x160x128xi32, #tpu.memory_space<hbm>>
      %dma_wait3A_96 = tpu.memref_squeeze %dma_wait3A_95 : memref<1x160x128xi32, #tpu.memory_space<hbm>> -> memref<160x128xi32, #tpu.memory_space<hbm>>
      tpu.wait_dma2 semaphore(%run_scoped3A_82 : memref<!tpu.dma_semaphore, #tpu.memory_space<semaphore_mem>>) src(%dma_wait3A_96 : memref<160x128xi32, #tpu.memory_space<hbm>>) dst(%arg8 : memref<160x128xi32, #tpu.memory_space<vmem>>)
      tpu.yield
    }) : () -> ()
    "tpu.region"() ({
      %run_scoped3A_82 = tpu.sem_alloc : memref<!tpu.dma_semaphore, #tpu.memory_space<semaphore_mem>>
      %dma_start3A = arith.constant 0 : i32
      %dma_start3A_83 = arith.constant 0 : i32
      %dma_start3A_84 = tpu.memref_slice %arg3[%arg1, %dma_start3A, %dma_start3A_83] : memref<16x160x128xi32, #tpu.memory_space<hbm>> -> memref<1x160x128xi32, #tpu.memory_space<hbm>>
      %dma_start3A_85 = tpu.memref_squeeze %dma_start3A_84 : memref<1x160x128xi32, #tpu.memory_space<hbm>> -> memref<160x128xi32, #tpu.memory_space<hbm>>
      %dma_start3A_86 = arith.constant 0 : i32
      %dma_start3A_87 = arith.constant 0 : i32
      %dma_start3A_88 = tpu.memref_slice %arg3[%arg1, %dma_start3A_86, %dma_start3A_87] : memref<16x160x128xi32, #tpu.memory_space<hbm>> -> memref<1x160x128xi32, #tpu.memory_space<hbm>>
      %dma_start3A_89 = tpu.memref_squeeze %dma_start3A_88 : memref<1x160x128xi32, #tpu.memory_space<hbm>> -> memref<160x128xi32, #tpu.memory_space<hbm>>
      tpu.enqueue_dma source(%dma_start3A_89 : memref<160x128xi32, #tpu.memory_space<hbm>>) target(%arg9 : memref<160x128xi32, #tpu.memory_space<vmem>>) target_semaphore(%run_scoped3A_82 : memref<!tpu.dma_semaphore, #tpu.memory_space<semaphore_mem>>)
      %dma_wait3A = arith.constant 0 : i32
      %dma_wait3A_90 = arith.constant 0 : i32
      %dma_wait3A_91 = tpu.memref_slice %arg3[%arg1, %dma_wait3A, %dma_wait3A_90] : memref<16x160x128xi32, #tpu.memory_space<hbm>> -> memref<1x160x128xi32, #tpu.memory_space<hbm>>
      %dma_wait3A_92 = tpu.memref_squeeze %dma_wait3A_91 : memref<1x160x128xi32, #tpu.memory_space<hbm>> -> memref<160x128xi32, #tpu.memory_space<hbm>>
      %dma_wait3A_93 = arith.constant 0 : i32
      %dma_wait3A_94 = arith.constant 0 : i32
      %dma_wait3A_95 = tpu.memref_slice %arg3[%arg1, %dma_wait3A_93, %dma_wait3A_94] : memref<16x160x128xi32, #tpu.memory_space<hbm>> -> memref<1x160x128xi32, #tpu.memory_space<hbm>>
      %dma_wait3A_96 = tpu.memref_squeeze %dma_wait3A_95 : memref<1x160x128xi32, #tpu.memory_space<hbm>> -> memref<160x128xi32, #tpu.memory_space<hbm>>
      tpu.wait_dma2 semaphore(%run_scoped3A_82 : memref<!tpu.dma_semaphore, #tpu.memory_space<semaphore_mem>>) src(%dma_wait3A_96 : memref<160x128xi32, #tpu.memory_space<hbm>>) dst(%arg9 : memref<160x128xi32, #tpu.memory_space<vmem>>)
      tpu.yield
    }) : () -> ()
    %broadcast_in_dim3A = arith.constant 0.000000e+00 : f32
    %broadcast_in_dim3A_0 = vector.broadcast %broadcast_in_dim3A : f32 to vector<16xf32>
    %scan3A = arith.constant 0 : i32
    %scan3A_1 = arith.constant 0 : i32
    %scan3A_2 = arith.constant 512 : i32
    %scan3A_3 = arith.addi %scan3A_1, %scan3A_2 : i32
    %scan3A_4 = arith.constant 1 : i32
    scf.for %scan3A_82 = %scan3A_1 to %scan3A_3 step %scan3A_4  : i32 {
      %jit3A = arith.constant 4 : i32
      %div3A = arith.divsi %scan3A_82, %jit3A : i32
      %sign3A = arith.constant 0 : i32
      %sign3A_83 = arith.cmpi sgt, %scan3A_82, %sign3A : i32
      %sign3A_84 = arith.extui %sign3A_83 : i1 to i32
      %sign3A_85 = arith.constant 0 : i32
      %sign3A_86 = arith.cmpi slt, %scan3A_82, %sign3A_85 : i32
      %sign3A_87 = arith.extui %sign3A_86 : i1 to i32
      %sign3A_88 = arith.subi %sign3A_84, %sign3A_87 : i32
      %sign3A_89 = arith.constant 0 : i32
      %sign3A_90 = arith.cmpi sgt, %jit3A, %sign3A_89 : i32
      %sign3A_91 = arith.extui %sign3A_90 : i1 to i32
      %sign3A_92 = arith.constant 0 : i32
      %sign3A_93 = arith.cmpi slt, %jit3A, %sign3A_92 : i32
      %sign3A_94 = arith.extui %sign3A_93 : i1 to i32
      %sign3A_95 = arith.subi %sign3A_91, %sign3A_94 : i32
      %ne3A = arith.cmpi ne, %sign3A_88, %sign3A_95 : i32
      %rem3A = arith.remsi %scan3A_82, %jit3A : i32
      %ne3A_96 = arith.constant 0 : i32
      %ne3A_97 = arith.cmpi ne, %rem3A, %ne3A_96 : i32
      %and3A = arith.andi %ne3A, %ne3A_97 : i1
      %sub3A = arith.constant 1 : i32
      %sub3A_98 = arith.subi %div3A, %sub3A : i32
      %select_n3A = arith.select %and3A, %sub3A_98, %div3A : i32
      %jit3A_99 = arith.constant 4 : i32
      %eq3A_100 = arith.constant 0 : i32
      %eq3A_101 = arith.cmpi eq, %jit3A_99, %eq3A_100 : i32
      %jit3A_102 = arith.constant 1 : i32
      %select_n3A_103 = arith.select %eq3A_101, %jit3A_102, %jit3A_99 : i32
      %rem3A_104 = arith.remsi %scan3A_82, %select_n3A_103 : i32
      %ne3A_105 = arith.constant 0 : i32
      %ne3A_106 = arith.cmpi ne, %rem3A_104, %ne3A_105 : i32
      %lt3A = arith.constant 0 : i32
      %lt3A_107 = arith.cmpi slt, %rem3A_104, %lt3A : i32
      %lt3A_108 = arith.constant 0 : i32
      %lt3A_109 = arith.cmpi slt, %select_n3A_103, %lt3A_108 : i32
      %ne3A_110 = arith.xori %lt3A_107, %lt3A_109 : i1
      %and3A_111 = arith.andi %ne3A_110, %ne3A_106 : i1
      %add3A_112 = arith.addi %rem3A_104, %select_n3A_103 : i32
      %select_n3A_113 = arith.select %and3A_111, %add3A_112, %rem3A_104 : i32
      %mul3A_114 = arith.constant 16 : i32
      %mul3A_115 = arith.muli %select_n3A_113, %mul3A_114 : i32
      %swap3A = arith.constant 0 : i32
      %swap3A_116 = arith.index_cast %swap3A : i32 to index
      %swap3A_117 = arith.index_cast %select_n3A : i32 to index
      %swap3A_118 = arith.index_cast %mul3A_115 : i32 to index
      %swap3A_119 = tpu.vector_load %arg10[%swap3A_116, %swap3A_117, %swap3A_118] {strides = array<i32>} : memref<4x128x64xf32, #tpu.memory_space<vmem>>, vector<16xf32>,
      tpu.vector_store %arg10[%swap3A_116, %swap3A_117, %swap3A_118], %broadcast_in_dim3A_0 {strides = array<i32>} : memref<4x128x64xf32, #tpu.memory_space<vmem>>, vector<16xf32>,
    }
    %scan3A_5 = arith.constant 512 : i32
    %mul3A = arith.constant 640 : i32
    %mul3A_6 = arith.muli %arg1, %mul3A : i32
    %add3A = arith.constant 0 : i32
    %add3A_7 = arith.addi %mul3A_6, %add3A : i32
    %run_scoped3A = arith.constant 0 : i32
    "tpu.region"() ({
      %run_scoped3A_82 = tpu.sem_alloc : memref<!tpu.dma_semaphore, #tpu.memory_space<semaphore_mem>>
      %dma_start3A = arith.constant 0 : i32
      %dma_start3A_83 = arith.constant 0 : i32
      %dma_start3A_84 = tpu.memref_slice %arg10[%run_scoped3A, %dma_start3A, %dma_start3A_83] : memref<4x128x64xf32, #tpu.memory_space<vmem>> -> memref<1x128x64xf32, #tpu.memory_space<vmem>>
      %dma_start3A_85 = tpu.memref_squeeze %dma_start3A_84 : memref<1x128x64xf32, #tpu.memory_space<vmem>> -> memref<128x64xf32, #tpu.memory_space<vmem>>
      %dma_start3A_86 = arith.constant 0 : i32
      %dma_start3A_87 = tpu.memref_slice %arg11[%add3A_7, %dma_start3A_86] : memref<10240x64xf32, #tpu.memory_space<vmem_shared>> -> memref<128x64xf32, #tpu.memory_space<vmem_shared>>
      %dma_start3A_88 = arith.constant 0 : i32
      %dma_start3A_89 = tpu.memref_slice %arg11[%add3A_7, %dma_start3A_88] : memref<10240x64xf32, #tpu.memory_space<vmem_shared>> -> memref<128x64xf32, #tpu.memory_space<vmem_shared>>
      %dma_start3A_90 = arith.constant 0 : i32
      %dma_start3A_91 = arith.constant 0 : i32
      %dma_start3A_92 = tpu.memref_slice %arg10[%run_scoped3A, %dma_start3A_90, %dma_start3A_91] : memref<4x128x64xf32, #tpu.memory_space<vmem>> -> memref<1x128x64xf32, #tpu.memory_space<vmem>>
      %dma_start3A_93 = tpu.memref_squeeze %dma_start3A_92 : memref<1x128x64xf32, #tpu.memory_space<vmem>> -> memref<128x64xf32, #tpu.memory_space<vmem>>
      tpu.enqueue_dma source(%dma_start3A_93 : memref<128x64xf32, #tpu.memory_space<vmem>>) target(%dma_start3A_89 : memref<128x64xf32, #tpu.memory_space<vmem_shared>>) target_semaphore(%run_scoped3A_82 : memref<!tpu.dma_semaphore, #tpu.memory_space<semaphore_mem>>)
      %dma_wait3A = arith.constant 0 : i32
      %dma_wait3A_94 = arith.constant 0 : i32
      %dma_wait3A_95 = tpu.memref_slice %arg10[%run_scoped3A, %dma_wait3A, %dma_wait3A_94] : memref<4x128x64xf32, #tpu.memory_space<vmem>> -> memref<1x128x64xf32, #tpu.memory_space<vmem>>
      %dma_wait3A_96 = tpu.memref_squeeze %dma_wait3A_95 : memref<1x128x64xf32, #tpu.memory_space<vmem>> -> memref<128x64xf32, #tpu.memory_space<vmem>>
      %dma_wait3A_97 = arith.constant 0 : i32
      %dma_wait3A_98 = tpu.memref_slice %arg11[%add3A_7, %dma_wait3A_97] : memref<10240x64xf32, #tpu.memory_space<vmem_shared>> -> memref<128x64xf32, #tpu.memory_space<vmem_shared>>
      %dma_wait3A_99 = arith.constant 0 : i32
      %dma_wait3A_100 = tpu.memref_slice %arg11[%add3A_7, %dma_wait3A_99] : memref<10240x64xf32, #tpu.memory_space<vmem_shared>> -> memref<128x64xf32, #tpu.memory_space<vmem_shared>>
      %dma_wait3A_101 = arith.constant 0 : i32
      %dma_wait3A_102 = arith.constant 0 : i32
      %dma_wait3A_103 = tpu.memref_slice %arg10[%run_scoped3A, %dma_wait3A_101, %dma_wait3A_102] : memref<4x128x64xf32, #tpu.memory_space<vmem>> -> memref<1x128x64xf32, #tpu.memory_space<vmem>>
      %dma_wait3A_104 = tpu.memref_squeeze %dma_wait3A_103 : memref<1x128x64xf32, #tpu.memory_space<vmem>> -> memref<128x64xf32, #tpu.memory_space<vmem>>
      tpu.wait_dma2 semaphore(%run_scoped3A_82 : memref<!tpu.dma_semaphore, #tpu.memory_space<semaphore_mem>>) src(%dma_wait3A_104 : memref<128x64xf32, #tpu.memory_space<vmem>>) dst(%dma_wait3A_100 : memref<128x64xf32, #tpu.memory_space<vmem_shared>>)
      tpu.yield
    }) : () -> ()
    %mul3A_8 = arith.constant 640 : i32
    %mul3A_9 = arith.muli %arg1, %mul3A_8 : i32
    %add3A_10 = arith.constant 128 : i32
    %add3A_11 = arith.addi %mul3A_9, %add3A_10 : i32
    %run_scoped3A_12 = arith.constant 0 : i32
    "tpu.region"() ({
      %run_scoped3A_82 = tpu.sem_alloc : memref<!tpu.dma_semaphore, #tpu.memory_space<semaphore_mem>>
      %dma_start3A = arith.constant 0 : i32
      %dma_start3A_83 = arith.constant 0 : i32
      %dma_start3A_84 = tpu.memref_slice %arg10[%run_scoped3A_12, %dma_start3A, %dma_start3A_83] : memref<4x128x64xf32, #tpu.memory_space<vmem>> -> memref<1x128x64xf32, #tpu.memory_space<vmem>>
      %dma_start3A_85 = tpu.memref_squeeze %dma_start3A_84 : memref<1x128x64xf32, #tpu.memory_space<vmem>> -> memref<128x64xf32, #tpu.memory_space<vmem>>
      %dma_start3A_86 = arith.constant 0 : i32
      %dma_start3A_87 = tpu.memref_slice %arg11[%add3A_11, %dma_start3A_86] : memref<10240x64xf32, #tpu.memory_space<vmem_shared>> -> memref<128x64xf32, #tpu.memory_space<vmem_shared>>
      %dma_start3A_88 = arith.constant 0 : i32
      %dma_start3A_89 = tpu.memref_slice %arg11[%add3A_11, %dma_start3A_88] : memref<10240x64xf32, #tpu.memory_space<vmem_shared>> -> memref<128x64xf32, #tpu.memory_space<vmem_shared>>
      %dma_start3A_90 = arith.constant 0 : i32
      %dma_start3A_91 = arith.constant 0 : i32
      %dma_start3A_92 = tpu.memref_slice %arg10[%run_scoped3A_12, %dma_start3A_90, %dma_start3A_91] : memref<4x128x64xf32, #tpu.memory_space<vmem>> -> memref<1x128x64xf32, #tpu.memory_space<vmem>>
      %dma_start3A_93 = tpu.memref_squeeze %dma_start3A_92 : memref<1x128x64xf32, #tpu.memory_space<vmem>> -> memref<128x64xf32, #tpu.memory_space<vmem>>
      tpu.enqueue_dma source(%dma_start3A_93 : memref<128x64xf32, #tpu.memory_space<vmem>>) target(%dma_start3A_89 : memref<128x64xf32, #tpu.memory_space<vmem_shared>>) target_semaphore(%run_scoped3A_82 : memref<!tpu.dma_semaphore, #tpu.memory_space<semaphore_mem>>)
      %dma_wait3A = arith.constant 0 : i32
      %dma_wait3A_94 = arith.constant 0 : i32
      %dma_wait3A_95 = tpu.memref_slice %arg10[%run_scoped3A_12, %dma_wait3A, %dma_wait3A_94] : memref<4x128x64xf32, #tpu.memory_space<vmem>> -> memref<1x128x64xf32, #tpu.memory_space<vmem>>
      %dma_wait3A_96 = tpu.memref_squeeze %dma_wait3A_95 : memref<1x128x64xf32, #tpu.memory_space<vmem>> -> memref<128x64xf32, #tpu.memory_space<vmem>>
      %dma_wait3A_97 = arith.constant 0 : i32
      %dma_wait3A_98 = tpu.memref_slice %arg11[%add3A_11, %dma_wait3A_97] : memref<10240x64xf32, #tpu.memory_space<vmem_shared>> -> memref<128x64xf32, #tpu.memory_space<vmem_shared>>
      %dma_wait3A_99 = arith.constant 0 : i32
      %dma_wait3A_100 = tpu.memref_slice %arg11[%add3A_11, %dma_wait3A_99] : memref<10240x64xf32, #tpu.memory_space<vmem_shared>> -> memref<128x64xf32, #tpu.memory_space<vmem_shared>>
      %dma_wait3A_101 = arith.constant 0 : i32
      %dma_wait3A_102 = arith.constant 0 : i32
      %dma_wait3A_103 = tpu.memref_slice %arg10[%run_scoped3A_12, %dma_wait3A_101, %dma_wait3A_102] : memref<4x128x64xf32, #tpu.memory_space<vmem>> -> memref<1x128x64xf32, #tpu.memory_space<vmem>>
      %dma_wait3A_104 = tpu.memref_squeeze %dma_wait3A_103 : memref<1x128x64xf32, #tpu.memory_space<vmem>> -> memref<128x64xf32, #tpu.memory_space<vmem>>
      tpu.wait_dma2 semaphore(%run_scoped3A_82 : memref<!tpu.dma_semaphore, #tpu.memory_space<semaphore_mem>>) src(%dma_wait3A_104 : memref<128x64xf32, #tpu.memory_space<vmem>>) dst(%dma_wait3A_100 : memref<128x64xf32, #tpu.memory_space<vmem_shared>>)
      tpu.yield
    }) : () -> ()
    %mul3A_13 = arith.constant 640 : i32
    %mul3A_14 = arith.muli %arg1, %mul3A_13 : i32
    %add3A_15 = arith.constant 256 : i32
    %add3A_16 = arith.addi %mul3A_14, %add3A_15 : i32
    %run_scoped3A_17 = arith.constant 0 : i32
    "tpu.region"() ({
      %run_scoped3A_82 = tpu.sem_alloc : memref<!tpu.dma_semaphore, #tpu.memory_space<semaphore_mem>>
      %dma_start3A = arith.constant 0 : i32
      %dma_start3A_83 = arith.constant 0 : i32
      %dma_start3A_84 = tpu.memref_slice %arg10[%run_scoped3A_17, %dma_start3A, %dma_start3A_83] : memref<4x128x64xf32, #tpu.memory_space<vmem>> -> memref<1x128x64xf32, #tpu.memory_space<vmem>>
      %dma_start3A_85 = tpu.memref_squeeze %dma_start3A_84 : memref<1x128x64xf32, #tpu.memory_space<vmem>> -> memref<128x64xf32, #tpu.memory_space<vmem>>
      %dma_start3A_86 = arith.constant 0 : i32
      %dma_start3A_87 = tpu.memref_slice %arg11[%add3A_16, %dma_start3A_86] : memref<10240x64xf32, #tpu.memory_space<vmem_shared>> -> memref<128x64xf32, #tpu.memory_space<vmem_shared>>
      %dma_start3A_88 = arith.constant 0 : i32
      %dma_start3A_89 = tpu.memref_slice %arg11[%add3A_16, %dma_start3A_88] : memref<10240x64xf32, #tpu.memory_space<vmem_shared>> -> memref<128x64xf32, #tpu.memory_space<vmem_shared>>
      %dma_start3A_90 = arith.constant 0 : i32
      %dma_start3A_91 = arith.constant 0 : i32
      %dma_start3A_92 = tpu.memref_slice %arg10[%run_scoped3A_17, %dma_start3A_90, %dma_start3A_91] : memref<4x128x64xf32, #tpu.memory_space<vmem>> -> memref<1x128x64xf32, #tpu.memory_space<vmem>>
      %dma_start3A_93 = tpu.memref_squeeze %dma_start3A_92 : memref<1x128x64xf32, #tpu.memory_space<vmem>> -> memref<128x64xf32, #tpu.memory_space<vmem>>
      tpu.enqueue_dma source(%dma_start3A_93 : memref<128x64xf32, #tpu.memory_space<vmem>>) target(%dma_start3A_89 : memref<128x64xf32, #tpu.memory_space<vmem_shared>>) target_semaphore(%run_scoped3A_82 : memref<!tpu.dma_semaphore, #tpu.memory_space<semaphore_mem>>)
      %dma_wait3A = arith.constant 0 : i32
      %dma_wait3A_94 = arith.constant 0 : i32
      %dma_wait3A_95 = tpu.memref_slice %arg10[%run_scoped3A_17, %dma_wait3A, %dma_wait3A_94] : memref<4x128x64xf32, #tpu.memory_space<vmem>> -> memref<1x128x64xf32, #tpu.memory_space<vmem>>
      %dma_wait3A_96 = tpu.memref_squeeze %dma_wait3A_95 : memref<1x128x64xf32, #tpu.memory_space<vmem>> -> memref<128x64xf32, #tpu.memory_space<vmem>>
      %dma_wait3A_97 = arith.constant 0 : i32
      %dma_wait3A_98 = tpu.memref_slice %arg11[%add3A_16, %dma_wait3A_97] : memref<10240x64xf32, #tpu.memory_space<vmem_shared>> -> memref<128x64xf32, #tpu.memory_space<vmem_shared>>
      %dma_wait3A_99 = arith.constant 0 : i32
      %dma_wait3A_100 = tpu.memref_slice %arg11[%add3A_16, %dma_wait3A_99] : memref<10240x64xf32, #tpu.memory_space<vmem_shared>> -> memref<128x64xf32, #tpu.memory_space<vmem_shared>>
      %dma_wait3A_101 = arith.constant 0 : i32
      %dma_wait3A_102 = arith.constant 0 : i32
      %dma_wait3A_103 = tpu.memref_slice %arg10[%run_scoped3A_17, %dma_wait3A_101, %dma_wait3A_102] : memref<4x128x64xf32, #tpu.memory_space<vmem>> -> memref<1x128x64xf32, #tpu.memory_space<vmem>>
      %dma_wait3A_104 = tpu.memref_squeeze %dma_wait3A_103 : memref<1x128x64xf32, #tpu.memory_space<vmem>> -> memref<128x64xf32, #tpu.memory_space<vmem>>
      tpu.wait_dma2 semaphore(%run_scoped3A_82 : memref<!tpu.dma_semaphore, #tpu.memory_space<semaphore_mem>>) src(%dma_wait3A_104 : memref<128x64xf32, #tpu.memory_space<vmem>>) dst(%dma_wait3A_100 : memref<128x64xf32, #tpu.memory_space<vmem_shared>>)
      tpu.yield
    }) : () -> ()
    %mul3A_18 = arith.constant 640 : i32
    %mul3A_19 = arith.muli %arg1, %mul3A_18 : i32
    %add3A_20 = arith.constant 384 : i32
    %add3A_21 = arith.addi %mul3A_19, %add3A_20 : i32
    %run_scoped3A_22 = arith.constant 0 : i32
    "tpu.region"() ({
      %run_scoped3A_82 = tpu.sem_alloc : memref<!tpu.dma_semaphore, #tpu.memory_space<semaphore_mem>>
      %dma_start3A = arith.constant 0 : i32
      %dma_start3A_83 = arith.constant 0 : i32
      %dma_start3A_84 = tpu.memref_slice %arg10[%run_scoped3A_22, %dma_start3A, %dma_start3A_83] : memref<4x128x64xf32, #tpu.memory_space<vmem>> -> memref<1x128x64xf32, #tpu.memory_space<vmem>>
      %dma_start3A_85 = tpu.memref_squeeze %dma_start3A_84 : memref<1x128x64xf32, #tpu.memory_space<vmem>> -> memref<128x64xf32, #tpu.memory_space<vmem>>
      %dma_start3A_86 = arith.constant 0 : i32
      %dma_start3A_87 = tpu.memref_slice %arg11[%add3A_21, %dma_start3A_86] : memref<10240x64xf32, #tpu.memory_space<vmem_shared>> -> memref<128x64xf32, #tpu.memory_space<vmem_shared>>
      %dma_start3A_88 = arith.constant 0 : i32
      %dma_start3A_89 = tpu.memref_slice %arg11[%add3A_21, %dma_start3A_88] : memref<10240x64xf32, #tpu.memory_space<vmem_shared>> -> memref<128x64xf32, #tpu.memory_space<vmem_shared>>
      %dma_start3A_90 = arith.constant 0 : i32
      %dma_start3A_91 = arith.constant 0 : i32
      %dma_start3A_92 = tpu.memref_slice %arg10[%run_scoped3A_22, %dma_start3A_90, %dma_start3A_91] : memref<4x128x64xf32, #tpu.memory_space<vmem>> -> memref<1x128x64xf32, #tpu.memory_space<vmem>>
      %dma_start3A_93 = tpu.memref_squeeze %dma_start3A_92 : memref<1x128x64xf32, #tpu.memory_space<vmem>> -> memref<128x64xf32, #tpu.memory_space<vmem>>
      tpu.enqueue_dma source(%dma_start3A_93 : memref<128x64xf32, #tpu.memory_space<vmem>>) target(%dma_start3A_89 : memref<128x64xf32, #tpu.memory_space<vmem_shared>>) target_semaphore(%run_scoped3A_82 : memref<!tpu.dma_semaphore, #tpu.memory_space<semaphore_mem>>)
      %dma_wait3A = arith.constant 0 : i32
      %dma_wait3A_94 = arith.constant 0 : i32
      %dma_wait3A_95 = tpu.memref_slice %arg10[%run_scoped3A_22, %dma_wait3A, %dma_wait3A_94] : memref<4x128x64xf32, #tpu.memory_space<vmem>> -> memref<1x128x64xf32, #tpu.memory_space<vmem>>
      %dma_wait3A_96 = tpu.memref_squeeze %dma_wait3A_95 : memref<1x128x64xf32, #tpu.memory_space<vmem>> -> memref<128x64xf32, #tpu.memory_space<vmem>>
      %dma_wait3A_97 = arith.constant 0 : i32
      %dma_wait3A_98 = tpu.memref_slice %arg11[%add3A_21, %dma_wait3A_97] : memref<10240x64xf32, #tpu.memory_space<vmem_shared>> -> memref<128x64xf32, #tpu.memory_space<vmem_shared>>
      %dma_wait3A_99 = arith.constant 0 : i32
      %dma_wait3A_100 = tpu.memref_slice %arg11[%add3A_21, %dma_wait3A_99] : memref<10240x64xf32, #tpu.memory_space<vmem_shared>> -> memref<128x64xf32, #tpu.memory_space<vmem_shared>>
      %dma_wait3A_101 = arith.constant 0 : i32
      %dma_wait3A_102 = arith.constant 0 : i32
      %dma_wait3A_103 = tpu.memref_slice %arg10[%run_scoped3A_22, %dma_wait3A_101, %dma_wait3A_102] : memref<4x128x64xf32, #tpu.memory_space<vmem>> -> memref<1x128x64xf32, #tpu.memory_space<vmem>>
      %dma_wait3A_104 = tpu.memref_squeeze %dma_wait3A_103 : memref<1x128x64xf32, #tpu.memory_space<vmem>> -> memref<128x64xf32, #tpu.memory_space<vmem>>
      tpu.wait_dma2 semaphore(%run_scoped3A_82 : memref<!tpu.dma_semaphore, #tpu.memory_space<semaphore_mem>>) src(%dma_wait3A_104 : memref<128x64xf32, #tpu.memory_space<vmem>>) dst(%dma_wait3A_100 : memref<128x64xf32, #tpu.memory_space<vmem_shared>>)
      tpu.yield
    }) : () -> ()
    %mul3A_23 = arith.constant 640 : i32
    %mul3A_24 = arith.muli %arg1, %mul3A_23 : i32
    %add3A_25 = arith.constant 512 : i32
    %add3A_26 = arith.addi %mul3A_24, %add3A_25 : i32
    %run_scoped3A_27 = arith.constant 0 : i32
    "tpu.region"() ({
      %run_scoped3A_82 = tpu.sem_alloc : memref<!tpu.dma_semaphore, #tpu.memory_space<semaphore_mem>>
      %dma_start3A = arith.constant 0 : i32
      %dma_start3A_83 = arith.constant 0 : i32
      %dma_start3A_84 = tpu.memref_slice %arg10[%run_scoped3A_27, %dma_start3A, %dma_start3A_83] : memref<4x128x64xf32, #tpu.memory_space<vmem>> -> memref<1x128x64xf32, #tpu.memory_space<vmem>>
      %dma_start3A_85 = tpu.memref_squeeze %dma_start3A_84 : memref<1x128x64xf32, #tpu.memory_space<vmem>> -> memref<128x64xf32, #tpu.memory_space<vmem>>
      %dma_start3A_86 = arith.constant 0 : i32
      %dma_start3A_87 = tpu.memref_slice %arg11[%add3A_26, %dma_start3A_86] : memref<10240x64xf32, #tpu.memory_space<vmem_shared>> -> memref<128x64xf32, #tpu.memory_space<vmem_shared>>
      %dma_start3A_88 = arith.constant 0 : i32
      %dma_start3A_89 = tpu.memref_slice %arg11[%add3A_26, %dma_start3A_88] : memref<10240x64xf32, #tpu.memory_space<vmem_shared>> -> memref<128x64xf32, #tpu.memory_space<vmem_shared>>
      %dma_start3A_90 = arith.constant 0 : i32
      %dma_start3A_91 = arith.constant 0 : i32
      %dma_start3A_92 = tpu.memref_slice %arg10[%run_scoped3A_27, %dma_start3A_90, %dma_start3A_91] : memref<4x128x64xf32, #tpu.memory_space<vmem>> -> memref<1x128x64xf32, #tpu.memory_space<vmem>>
      %dma_start3A_93 = tpu.memref_squeeze %dma_start3A_92 : memref<1x128x64xf32, #tpu.memory_space<vmem>> -> memref<128x64xf32, #tpu.memory_space<vmem>>
      tpu.enqueue_dma source(%dma_start3A_93 : memref<128x64xf32, #tpu.memory_space<vmem>>) target(%dma_start3A_89 : memref<128x64xf32, #tpu.memory_space<vmem_shared>>) target_semaphore(%run_scoped3A_82 : memref<!tpu.dma_semaphore, #tpu.memory_space<semaphore_mem>>)
      %dma_wait3A = arith.constant 0 : i32
      %dma_wait3A_94 = arith.constant 0 : i32
      %dma_wait3A_95 = tpu.memref_slice %arg10[%run_scoped3A_27, %dma_wait3A, %dma_wait3A_94] : memref<4x128x64xf32, #tpu.memory_space<vmem>> -> memref<1x128x64xf32, #tpu.memory_space<vmem>>
      %dma_wait3A_96 = tpu.memref_squeeze %dma_wait3A_95 : memref<1x128x64xf32, #tpu.memory_space<vmem>> -> memref<128x64xf32, #tpu.memory_space<vmem>>
      %dma_wait3A_97 = arith.constant 0 : i32
      %dma_wait3A_98 = tpu.memref_slice %arg11[%add3A_26, %dma_wait3A_97] : memref<10240x64xf32, #tpu.memory_space<vmem_shared>> -> memref<128x64xf32, #tpu.memory_space<vmem_shared>>
      %dma_wait3A_99 = arith.constant 0 : i32
      %dma_wait3A_100 = tpu.memref_slice %arg11[%add3A_26, %dma_wait3A_99] : memref<10240x64xf32, #tpu.memory_space<vmem_shared>> -> memref<128x64xf32, #tpu.memory_space<vmem_shared>>
      %dma_wait3A_101 = arith.constant 0 : i32
      %dma_wait3A_102 = arith.constant 0 : i32
      %dma_wait3A_103 = tpu.memref_slice %arg10[%run_scoped3A_27, %dma_wait3A_101, %dma_wait3A_102] : memref<4x128x64xf32, #tpu.memory_space<vmem>> -> memref<1x128x64xf32, #tpu.memory_space<vmem>>
      %dma_wait3A_104 = tpu.memref_squeeze %dma_wait3A_103 : memref<1x128x64xf32, #tpu.memory_space<vmem>> -> memref<128x64xf32, #tpu.memory_space<vmem>>
      tpu.wait_dma2 semaphore(%run_scoped3A_82 : memref<!tpu.dma_semaphore, #tpu.memory_space<semaphore_mem>>) src(%dma_wait3A_104 : memref<128x64xf32, #tpu.memory_space<vmem>>) dst(%dma_wait3A_100 : memref<128x64xf32, #tpu.memory_space<vmem_shared>>)
      tpu.yield
    }) : () -> ()
    %barrier3A = arith.constant 0 : index
    tpu.barrier barrier_id(%barrier3A)
    %eq3A = arith.constant 0 : i32
    %eq3A_28 = arith.cmpi eq, %arg0, %eq3A : i32
    %convert_element_type3A = arith.extui %eq3A_28 : i1 to i32
    %cond3A = arith.constant 0 : i32
    %cond3A_29 = arith.cmpi ne, %convert_element_type3A, %cond3A : i32
    scf.if %cond3A_29 {
      %dma_start3A = arith.constant 0 : i32
      %dma_start3A_82 = arith.constant 0 : i32
      %dma_start3A_83 = arith.constant 0 : i32
      %dma_start3A_84 = arith.constant 0 : i32
      %dma_start3A_85 = tpu.memref_slice %arg10[%dma_start3A_82, %dma_start3A_83, %dma_start3A_84] : memref<4x128x64xf32, #tpu.memory_space<vmem>> -> memref<1x128x64xf32, #tpu.memory_space<vmem>>
      %dma_start3A_86 = tpu.memref_squeeze %dma_start3A_85 : memref<1x128x64xf32, #tpu.memory_space<vmem>> -> memref<128x64xf32, #tpu.memory_space<vmem>>
      %dma_start3A_87 = arith.constant 0 : i32
      %dma_start3A_88 = tpu.memref_slice %arg8[%dma_start3A, %dma_start3A_87] : memref<160x128xi32, #tpu.memory_space<vmem>> -> memref<1x128xi32, #tpu.memory_space<vmem>>
      %dma_start3A_89 = tpu.memref_squeeze %dma_start3A_88 : memref<1x128xi32, #tpu.memory_space<vmem>> -> memref<128xi32, #tpu.memory_space<vmem>>
      %dma_start3A_90 = arith.constant 0 : i32
      %dma_start3A_91 = arith.constant 0 : i32
      %dma_start3A_92 = tpu.memref_slice %arg4[%dma_start3A_90, %dma_start3A_91] : memref<10240x64xf32, #tpu.memory_space<hbm>> -> memref<10240x64xf32, #tpu.memory_space<hbm>>
      tpu.enqueue_indirect_dma source(%dma_start3A_92 : memref<10240x64xf32, #tpu.memory_space<hbm>>) target(%dma_start3A_86 : memref<128x64xf32, #tpu.memory_space<vmem>>) offsets(%dma_start3A_89 : memref<128xi32, #tpu.memory_space<vmem>>) semaphore(%arg12 : memref<!tpu.dma_semaphore, #tpu.memory_space<semaphore_mem>>)
    } else {
    }
    %eq3A_30 = arith.constant 1 : i32
    %eq3A_31 = arith.cmpi eq, %arg0, %eq3A_30 : i32
    %convert_element_type3A_32 = arith.extui %eq3A_31 : i1 to i32
    %cond3A_33 = arith.constant 0 : i32
    %cond3A_34 = arith.cmpi ne, %convert_element_type3A_32, %cond3A_33 : i32
    scf.if %cond3A_34 {
      %dma_start3A = arith.constant 0 : i32
      %dma_start3A_82 = arith.constant 0 : i32
      %dma_start3A_83 = arith.constant 0 : i32
      %dma_start3A_84 = arith.constant 0 : i32
      %dma_start3A_85 = tpu.memref_slice %arg10[%dma_start3A_82, %dma_start3A_83, %dma_start3A_84] : memref<4x128x64xf32, #tpu.memory_space<vmem>> -> memref<1x128x64xf32, #tpu.memory_space<vmem>>
      %dma_start3A_86 = tpu.memref_squeeze %dma_start3A_85 : memref<1x128x64xf32, #tpu.memory_space<vmem>> -> memref<128x64xf32, #tpu.memory_space<vmem>>
      %dma_start3A_87 = arith.constant 0 : i32
      %dma_start3A_88 = tpu.memref_slice %arg8[%dma_start3A, %dma_start3A_87] : memref<160x128xi32, #tpu.memory_space<vmem>> -> memref<1x128xi32, #tpu.memory_space<vmem>>
      %dma_start3A_89 = tpu.memref_squeeze %dma_start3A_88 : memref<1x128xi32, #tpu.memory_space<vmem>> -> memref<128xi32, #tpu.memory_space<vmem>>
      %dma_start3A_90 = arith.constant 0 : i32
      %dma_start3A_91 = arith.constant 0 : i32
      %dma_start3A_92 = tpu.memref_slice %arg5[%dma_start3A_90, %dma_start3A_91] : memref<10240x64xf32, #tpu.memory_space<hbm>> -> memref<10240x64xf32, #tpu.memory_space<hbm>>
      tpu.enqueue_indirect_dma source(%dma_start3A_92 : memref<10240x64xf32, #tpu.memory_space<hbm>>) target(%dma_start3A_86 : memref<128x64xf32, #tpu.memory_space<vmem>>) offsets(%dma_start3A_89 : memref<128xi32, #tpu.memory_space<vmem>>) semaphore(%arg12 : memref<!tpu.dma_semaphore, #tpu.memory_space<semaphore_mem>>)
    } else {
    }
    %eq3A_35 = arith.constant 0 : i32
    %eq3A_36 = arith.cmpi eq, %arg0, %eq3A_35 : i32
    %convert_element_type3A_37 = arith.extui %eq3A_36 : i1 to i32
    %cond3A_38 = arith.constant 0 : i32
    %cond3A_39 = arith.cmpi ne, %convert_element_type3A_37, %cond3A_38 : i32
    scf.if %cond3A_39 {
      %dma_start3A = arith.constant 1 : i32
      %dma_start3A_82 = arith.constant 1 : i32
      %dma_start3A_83 = arith.constant 0 : i32
      %dma_start3A_84 = arith.constant 0 : i32
      %dma_start3A_85 = tpu.memref_slice %arg10[%dma_start3A_82, %dma_start3A_83, %dma_start3A_84] : memref<4x128x64xf32, #tpu.memory_space<vmem>> -> memref<1x128x64xf32, #tpu.memory_space<vmem>>
      %dma_start3A_86 = tpu.memref_squeeze %dma_start3A_85 : memref<1x128x64xf32, #tpu.memory_space<vmem>> -> memref<128x64xf32, #tpu.memory_space<vmem>>
      %dma_start3A_87 = arith.constant 0 : i32
      %dma_start3A_88 = tpu.memref_slice %arg8[%dma_start3A, %dma_start3A_87] : memref<160x128xi32, #tpu.memory_space<vmem>> -> memref<1x128xi32, #tpu.memory_space<vmem>>
      %dma_start3A_89 = tpu.memref_squeeze %dma_start3A_88 : memref<1x128xi32, #tpu.memory_space<vmem>> -> memref<128xi32, #tpu.memory_space<vmem>>
      %dma_start3A_90 = arith.constant 0 : i32
      %dma_start3A_91 = arith.constant 0 : i32
      %dma_start3A_92 = tpu.memref_slice %arg4[%dma_start3A_90, %dma_start3A_91] : memref<10240x64xf32, #tpu.memory_space<hbm>> -> memref<10240x64xf32, #tpu.memory_space<hbm>>
      tpu.enqueue_indirect_dma source(%dma_start3A_92 : memref<10240x64xf32, #tpu.memory_space<hbm>>) target(%dma_start3A_86 : memref<128x64xf32, #tpu.memory_space<vmem>>) offsets(%dma_start3A_89 : memref<128xi32, #tpu.memory_space<vmem>>) semaphore(%arg13 : memref<!tpu.dma_semaphore, #tpu.memory_space<semaphore_mem>>)
    } else {
    }
    %eq3A_40 = arith.constant 1 : i32
    %eq3A_41 = arith.cmpi eq, %arg0, %eq3A_40 : i32
    %convert_element_type3A_42 = arith.extui %eq3A_41 : i1 to i32
    %cond3A_43 = arith.constant 0 : i32
    %cond3A_44 = arith.cmpi ne, %convert_element_type3A_42, %cond3A_43 : i32
    scf.if %cond3A_44 {
      %dma_start3A = arith.constant 1 : i32
      %dma_start3A_82 = arith.constant 1 : i32
      %dma_start3A_83 = arith.constant 0 : i32
      %dma_start3A_84 = arith.constant 0 : i32
      %dma_start3A_85 = tpu.memref_slice %arg10[%dma_start3A_82, %dma_start3A_83, %dma_start3A_84] : memref<4x128x64xf32, #tpu.memory_space<vmem>> -> memref<1x128x64xf32, #tpu.memory_space<vmem>>
      %dma_start3A_86 = tpu.memref_squeeze %dma_start3A_85 : memref<1x128x64xf32, #tpu.memory_space<vmem>> -> memref<128x64xf32, #tpu.memory_space<vmem>>
      %dma_start3A_87 = arith.constant 0 : i32
      %dma_start3A_88 = tpu.memref_slice %arg8[%dma_start3A, %dma_start3A_87] : memref<160x128xi32, #tpu.memory_space<vmem>> -> memref<1x128xi32, #tpu.memory_space<vmem>>
      %dma_start3A_89 = tpu.memref_squeeze %dma_start3A_88 : memref<1x128xi32, #tpu.memory_space<vmem>> -> memref<128xi32, #tpu.memory_space<vmem>>
      %dma_start3A_90 = arith.constant 0 : i32
      %dma_start3A_91 = arith.constant 0 : i32
      %dma_start3A_92 = tpu.memref_slice %arg5[%dma_start3A_90, %dma_start3A_91] : memref<10240x64xf32, #tpu.memory_space<hbm>> -> memref<10240x64xf32, #tpu.memory_space<hbm>>
      tpu.enqueue_indirect_dma source(%dma_start3A_92 : memref<10240x64xf32, #tpu.memory_space<hbm>>) target(%dma_start3A_86 : memref<128x64xf32, #tpu.memory_space<vmem>>) offsets(%dma_start3A_89 : memref<128xi32, #tpu.memory_space<vmem>>) semaphore(%arg13 : memref<!tpu.dma_semaphore, #tpu.memory_space<semaphore_mem>>)
    } else {
    }
    %eq3A_45 = arith.constant 0 : i32
    %eq3A_46 = arith.cmpi eq, %arg0, %eq3A_45 : i32
    %convert_element_type3A_47 = arith.extui %eq3A_46 : i1 to i32
    %cond3A_48 = arith.constant 0 : i32
    %cond3A_49 = arith.cmpi ne, %convert_element_type3A_47, %cond3A_48 : i32
    scf.if %cond3A_49 {
      %dma_start3A = arith.constant 2 : i32
      %dma_start3A_82 = arith.constant 2 : i32
      %dma_start3A_83 = arith.constant 0 : i32
      %dma_start3A_84 = arith.constant 0 : i32
      %dma_start3A_85 = tpu.memref_slice %arg10[%dma_start3A_82, %dma_start3A_83, %dma_start3A_84] : memref<4x128x64xf32, #tpu.memory_space<vmem>> -> memref<1x128x64xf32, #tpu.memory_space<vmem>>
      %dma_start3A_86 = tpu.memref_squeeze %dma_start3A_85 : memref<1x128x64xf32, #tpu.memory_space<vmem>> -> memref<128x64xf32, #tpu.memory_space<vmem>>
      %dma_start3A_87 = arith.constant 0 : i32
      %dma_start3A_88 = tpu.memref_slice %arg8[%dma_start3A, %dma_start3A_87] : memref<160x128xi32, #tpu.memory_space<vmem>> -> memref<1x128xi32, #tpu.memory_space<vmem>>
      %dma_start3A_89 = tpu.memref_squeeze %dma_start3A_88 : memref<1x128xi32, #tpu.memory_space<vmem>> -> memref<128xi32, #tpu.memory_space<vmem>>
      %dma_start3A_90 = arith.constant 0 : i32
      %dma_start3A_91 = arith.constant 0 : i32
      %dma_start3A_92 = tpu.memref_slice %arg4[%dma_start3A_90, %dma_start3A_91] : memref<10240x64xf32, #tpu.memory_space<hbm>> -> memref<10240x64xf32, #tpu.memory_space<hbm>>
      tpu.enqueue_indirect_dma source(%dma_start3A_92 : memref<10240x64xf32, #tpu.memory_space<hbm>>) target(%dma_start3A_86 : memref<128x64xf32, #tpu.memory_space<vmem>>) offsets(%dma_start3A_89 : memref<128xi32, #tpu.memory_space<vmem>>) semaphore(%arg14 : memref<!tpu.dma_semaphore, #tpu.memory_space<semaphore_mem>>)
    } else {
    }
    %eq3A_50 = arith.constant 1 : i32
    %eq3A_51 = arith.cmpi eq, %arg0, %eq3A_50 : i32
    %convert_element_type3A_52 = arith.extui %eq3A_51 : i1 to i32
    %cond3A_53 = arith.constant 0 : i32
    %cond3A_54 = arith.cmpi ne, %convert_element_type3A_52, %cond3A_53 : i32
    scf.if %cond3A_54 {
      %dma_start3A = arith.constant 2 : i32
      %dma_start3A_82 = arith.constant 2 : i32
      %dma_start3A_83 = arith.constant 0 : i32
      %dma_start3A_84 = arith.constant 0 : i32
      %dma_start3A_85 = tpu.memref_slice %arg10[%dma_start3A_82, %dma_start3A_83, %dma_start3A_84] : memref<4x128x64xf32, #tpu.memory_space<vmem>> -> memref<1x128x64xf32, #tpu.memory_space<vmem>>
      %dma_start3A_86 = tpu.memref_squeeze %dma_start3A_85 : memref<1x128x64xf32, #tpu.memory_space<vmem>> -> memref<128x64xf32, #tpu.memory_space<vmem>>
      %dma_start3A_87 = arith.constant 0 : i32
      %dma_start3A_88 = tpu.memref_slice %arg8[%dma_start3A, %dma_start3A_87] : memref<160x128xi32, #tpu.memory_space<vmem>> -> memref<1x128xi32, #tpu.memory_space<vmem>>
      %dma_start3A_89 = tpu.memref_squeeze %dma_start3A_88 : memref<1x128xi32, #tpu.memory_space<vmem>> -> memref<128xi32, #tpu.memory_space<vmem>>
      %dma_start3A_90 = arith.constant 0 : i32
      %dma_start3A_91 = arith.constant 0 : i32
      %dma_start3A_92 = tpu.memref_slice %arg5[%dma_start3A_90, %dma_start3A_91] : memref<10240x64xf32, #tpu.memory_space<hbm>> -> memref<10240x64xf32, #tpu.memory_space<hbm>>
      tpu.enqueue_indirect_dma source(%dma_start3A_92 : memref<10240x64xf32, #tpu.memory_space<hbm>>) target(%dma_start3A_86 : memref<128x64xf32, #tpu.memory_space<vmem>>) offsets(%dma_start3A_89 : memref<128xi32, #tpu.memory_space<vmem>>) semaphore(%arg14 : memref<!tpu.dma_semaphore, #tpu.memory_space<semaphore_mem>>)
    } else {
    }
    %eq3A_55 = arith.constant 0 : i32
    %eq3A_56 = arith.cmpi eq, %arg0, %eq3A_55 : i32
    %convert_element_type3A_57 = arith.extui %eq3A_56 : i1 to i32
    %cond3A_58 = arith.constant 0 : i32
    %cond3A_59 = arith.cmpi ne, %convert_element_type3A_57, %cond3A_58 : i32
    scf.if %cond3A_59 {
      %dma_start3A = arith.constant 3 : i32
      %dma_start3A_82 = arith.constant 3 : i32
      %dma_start3A_83 = arith.constant 0 : i32
      %dma_start3A_84 = arith.constant 0 : i32
      %dma_start3A_85 = tpu.memref_slice %arg10[%dma_start3A_82, %dma_start3A_83, %dma_start3A_84] : memref<4x128x64xf32, #tpu.memory_space<vmem>> -> memref<1x128x64xf32, #tpu.memory_space<vmem>>
      %dma_start3A_86 = tpu.memref_squeeze %dma_start3A_85 : memref<1x128x64xf32, #tpu.memory_space<vmem>> -> memref<128x64xf32, #tpu.memory_space<vmem>>
      %dma_start3A_87 = arith.constant 0 : i32
      %dma_start3A_88 = tpu.memref_slice %arg8[%dma_start3A, %dma_start3A_87] : memref<160x128xi32, #tpu.memory_space<vmem>> -> memref<1x128xi32, #tpu.memory_space<vmem>>
      %dma_start3A_89 = tpu.memref_squeeze %dma_start3A_88 : memref<1x128xi32, #tpu.memory_space<vmem>> -> memref<128xi32, #tpu.memory_space<vmem>>
      %dma_start3A_90 = arith.constant 0 : i32
      %dma_start3A_91 = arith.constant 0 : i32
      %dma_start3A_92 = tpu.memref_slice %arg4[%dma_start3A_90, %dma_start3A_91] : memref<10240x64xf32, #tpu.memory_space<hbm>> -> memref<10240x64xf32, #tpu.memory_space<hbm>>
      tpu.enqueue_indirect_dma source(%dma_start3A_92 : memref<10240x64xf32, #tpu.memory_space<hbm>>) target(%dma_start3A_86 : memref<128x64xf32, #tpu.memory_space<vmem>>) offsets(%dma_start3A_89 : memref<128xi32, #tpu.memory_space<vmem>>) semaphore(%arg15 : memref<!tpu.dma_semaphore, #tpu.memory_space<semaphore_mem>>)
    } else {
    }
    %eq3A_60 = arith.constant 1 : i32
    %eq3A_61 = arith.cmpi eq, %arg0, %eq3A_60 : i32
    %convert_element_type3A_62 = arith.extui %eq3A_61 : i1 to i32
    %cond3A_63 = arith.constant 0 : i32
    %cond3A_64 = arith.cmpi ne, %convert_element_type3A_62, %cond3A_63 : i32
    scf.if %cond3A_64 {
      %dma_start3A = arith.constant 3 : i32
      %dma_start3A_82 = arith.constant 3 : i32
      %dma_start3A_83 = arith.constant 0 : i32
      %dma_start3A_84 = arith.constant 0 : i32
      %dma_start3A_85 = tpu.memref_slice %arg10[%dma_start3A_82, %dma_start3A_83, %dma_start3A_84] : memref<4x128x64xf32, #tpu.memory_space<vmem>> -> memref<1x128x64xf32, #tpu.memory_space<vmem>>
      %dma_start3A_86 = tpu.memref_squeeze %dma_start3A_85 : memref<1x128x64xf32, #tpu.memory_space<vmem>> -> memref<128x64xf32, #tpu.memory_space<vmem>>
      %dma_start3A_87 = arith.constant 0 : i32
      %dma_start3A_88 = tpu.memref_slice %arg8[%dma_start3A, %dma_start3A_87] : memref<160x128xi32, #tpu.memory_space<vmem>> -> memref<1x128xi32, #tpu.memory_space<vmem>>
      %dma_start3A_89 = tpu.memref_squeeze %dma_start3A_88 : memref<1x128xi32, #tpu.memory_space<vmem>> -> memref<128xi32, #tpu.memory_space<vmem>>
      %dma_start3A_90 = arith.constant 0 : i32
      %dma_start3A_91 = arith.constant 0 : i32
      %dma_start3A_92 = tpu.memref_slice %arg5[%dma_start3A_90, %dma_start3A_91] : memref<10240x64xf32, #tpu.memory_space<hbm>> -> memref<10240x64xf32, #tpu.memory_space<hbm>>
      tpu.enqueue_indirect_dma source(%dma_start3A_92 : memref<10240x64xf32, #tpu.memory_space<hbm>>) target(%dma_start3A_86 : memref<128x64xf32, #tpu.memory_space<vmem>>) offsets(%dma_start3A_89 : memref<128xi32, #tpu.memory_space<vmem>>) semaphore(%arg15 : memref<!tpu.dma_semaphore, #tpu.memory_space<semaphore_mem>>)
    } else {
    }
    %scan3A_65 = arith.constant 0 : i32
    %scan3A_66 = arith.constant 0 : i32
    %scan3A_67 = arith.constant 40 : i32
    %scan3A_68 = arith.addi %scan3A_66, %scan3A_67 : i32
    %scan3A_69 = arith.constant 1 : i32
    scf.for %scan3A_82 = %scan3A_66 to %scan3A_68 step %scan3A_69  : i32 {
      %mul3A_83 = arith.constant 4 : i32
      %mul3A_84 = arith.muli %mul3A_83, %scan3A_82 : i32
      %add3A_85 = arith.constant 0 : i32
      %add3A_86 = arith.addi %mul3A_84, %add3A_85 : i32
      %dma_wait3A = arith.constant 0 : i32
      %dma_wait3A_87 = arith.constant 0 : i32
      %dma_wait3A_88 = arith.constant 0 : i32
      %dma_wait3A_89 = arith.constant 0 : i32
      %dma_wait3A_90 = tpu.memref_slice %arg10[%dma_wait3A_87, %dma_wait3A_88, %dma_wait3A_89] : memref<4x128x64xf32, #tpu.memory_space<vmem>> -> memref<1x128x64xf32, #tpu.memory_space<vmem>>
      %dma_wait3A_91 = tpu.memref_squeeze %dma_wait3A_90 : memref<1x128x64xf32, #tpu.memory_space<vmem>> -> memref<128x64xf32, #tpu.memory_space<vmem>>
      %dma_wait3A_92 = arith.constant 0 : i32
      %dma_wait3A_93 = tpu.memref_slice %arg8[%dma_wait3A, %dma_wait3A_92] : memref<160x128xi32, #tpu.memory_space<vmem>> -> memref<1x128xi32, #tpu.memory_space<vmem>>
      %dma_wait3A_94 = tpu.memref_squeeze %dma_wait3A_93 : memref<1x128xi32, #tpu.memory_space<vmem>> -> memref<128xi32, #tpu.memory_space<vmem>>
      %dma_wait3A_95 = arith.constant 0 : i32
      %dma_wait3A_96 = arith.constant 0 : i32
      %dma_wait3A_97 = tpu.memref_slice %arg4[%dma_wait3A_95, %dma_wait3A_96] : memref<10240x64xf32, #tpu.memory_space<hbm>> -> memref<10240x64xf32, #tpu.memory_space<hbm>>
      tpu.wait_indirect_dma semaphore(%arg12 : memref<!tpu.dma_semaphore, #tpu.memory_space<semaphore_mem>>) src(%dma_wait3A_97 : memref<10240x64xf32, #tpu.memory_space<hbm>>) dst(%dma_wait3A_91 : memref<128x64xf32, #tpu.memory_space<vmem>>)
      %run_scoped3A_98 = arith.constant 0 : i32
      "tpu.region"() ({
        %run_scoped3A_177 = tpu.sem_alloc : memref<!tpu.dma_semaphore, #tpu.memory_space<semaphore_mem>>
        %dma_start3A = arith.constant 0 : i32
        %dma_start3A_178 = arith.constant 0 : i32
        %dma_start3A_179 = tpu.memref_slice %arg10[%run_scoped3A_98, %dma_start3A, %dma_start3A_178] : memref<4x128x64xf32, #tpu.memory_space<vmem>> -> memref<1x128x64xf32, #tpu.memory_space<vmem>>
        %dma_start3A_180 = tpu.memref_squeeze %dma_start3A_179 : memref<1x128x64xf32, #tpu.memory_space<vmem>> -> memref<128x64xf32, #tpu.memory_space<vmem>>
        %dma_start3A_181 = arith.constant 0 : i32
        %dma_start3A_182 = tpu.memref_slice %arg9[%add3A_86, %dma_start3A_181] : memref<160x128xi32, #tpu.memory_space<vmem>> -> memref<1x128xi32, #tpu.memory_space<vmem>>
        %dma_start3A_183 = tpu.memref_squeeze %dma_start3A_182 : memref<1x128xi32, #tpu.memory_space<vmem>> -> memref<128xi32, #tpu.memory_space<vmem>>
        %dma_start3A_184 = arith.constant 0 : i32
        %dma_start3A_185 = arith.constant 0 : i32
        %dma_start3A_186 = tpu.memref_slice %arg11[%dma_start3A_184, %dma_start3A_185] : memref<10240x64xf32, #tpu.memory_space<vmem_shared>> -> memref<10240x64xf32, #tpu.memory_space<vmem_shared>>
        tpu.enqueue_indirect_dma source(%dma_start3A_180 : memref<128x64xf32, #tpu.memory_space<vmem>>) target(%dma_start3A_186 : memref<10240x64xf32, #tpu.memory_space<vmem_shared>>) offsets(%dma_start3A_183 : memref<128xi32, #tpu.memory_space<vmem>>) semaphore(%run_scoped3A_177 : memref<!tpu.dma_semaphore, #tpu.memory_space<semaphore_mem>>) {add = true}
        %dma_wait3A_187 = arith.constant 0 : i32
        %dma_wait3A_188 = arith.constant 0 : i32
        %dma_wait3A_189 = tpu.memref_slice %arg10[%run_scoped3A_98, %dma_wait3A_187, %dma_wait3A_188] : memref<4x128x64xf32, #tpu.memory_space<vmem>> -> memref<1x128x64xf32, #tpu.memory_space<vmem>>
        %dma_wait3A_190 = tpu.memref_squeeze %dma_wait3A_189 : memref<1x128x64xf32, #tpu.memory_space<vmem>> -> memref<128x64xf32, #tpu.memory_space<vmem>>
        %dma_wait3A_191 = arith.constant 0 : i32
        %dma_wait3A_192 = tpu.memref_slice %arg9[%add3A_86, %dma_wait3A_191] : memref<160x128xi32, #tpu.memory_space<vmem>> -> memref<1x128xi32, #tpu.memory_space<vmem>>
        %dma_wait3A_193 = tpu.memref_squeeze %dma_wait3A_192 : memref<1x128xi32, #tpu.memory_space<vmem>> -> memref<128xi32, #tpu.memory_space<vmem>>
        %dma_wait3A_194 = arith.constant 0 : i32
        %dma_wait3A_195 = arith.constant 0 : i32
        %dma_wait3A_196 = tpu.memref_slice %arg11[%dma_wait3A_194, %dma_wait3A_195] : memref<10240x64xf32, #tpu.memory_space<vmem_shared>> -> memref<10240x64xf32, #tpu.memory_space<vmem_shared>>
        tpu.wait_indirect_dma semaphore(%run_scoped3A_177 : memref<!tpu.dma_semaphore, #tpu.memory_space<semaphore_mem>>) src(%dma_wait3A_190 : memref<128x64xf32, #tpu.memory_space<vmem>>) dst(%dma_wait3A_196 : memref<10240x64xf32, #tpu.memory_space<vmem_shared>>)
        tpu.yield
      }) : () -> ()
      %add3A_99 = arith.constant 4 : i32
      %add3A_100 = arith.addi %add3A_86, %add3A_99 : i32
      %lt3A = arith.constant 160 : i32
      %lt3A_101 = arith.cmpi slt, %add3A_100, %lt3A : i32
      %convert_element_type3A_102 = arith.extui %lt3A_101 : i1 to i32
      %cond3A_103 = arith.constant 0 : i32
      %cond3A_104 = arith.cmpi ne, %convert_element_type3A_102, %cond3A_103 : i32
      scf.if %cond3A_104 {
        %add3A_177 = arith.constant 4 : i32
        %add3A_178 = arith.addi %add3A_86, %add3A_177 : i32
        %eq3A_179 = arith.constant 0 : i32
        %eq3A_180 = arith.cmpi eq, %arg0, %eq3A_179 : i32
        %convert_element_type3A_181 = arith.extui %eq3A_180 : i1 to i32
        %cond3A_182 = arith.constant 0 : i32
        %cond3A_183 = arith.cmpi ne, %convert_element_type3A_181, %cond3A_182 : i32
        scf.if %cond3A_183 {
          %dma_start3A = arith.constant 0 : i32
          %dma_start3A_189 = arith.constant 0 : i32
          %dma_start3A_190 = arith.constant 0 : i32
          %dma_start3A_191 = tpu.memref_slice %arg10[%dma_start3A, %dma_start3A_189, %dma_start3A_190] : memref<4x128x64xf32, #tpu.memory_space<vmem>> -> memref<1x128x64xf32, #tpu.memory_space<vmem>>
          %dma_start3A_192 = tpu.memref_squeeze %dma_start3A_191 : memref<1x128x64xf32, #tpu.memory_space<vmem>> -> memref<128x64xf32, #tpu.memory_space<vmem>>
          %dma_start3A_193 = arith.constant 0 : i32
          %dma_start3A_194 = tpu.memref_slice %arg8[%add3A_178, %dma_start3A_193] : memref<160x128xi32, #tpu.memory_space<vmem>> -> memref<1x128xi32, #tpu.memory_space<vmem>>
          %dma_start3A_195 = tpu.memref_squeeze %dma_start3A_194 : memref<1x128xi32, #tpu.memory_space<vmem>> -> memref<128xi32, #tpu.memory_space<vmem>>
          %dma_start3A_196 = arith.constant 0 : i32
          %dma_start3A_197 = arith.constant 0 : i32
          %dma_start3A_198 = tpu.memref_slice %arg4[%dma_start3A_196, %dma_start3A_197] : memref<10240x64xf32, #tpu.memory_space<hbm>> -> memref<10240x64xf32, #tpu.memory_space<hbm>>
          tpu.enqueue_indirect_dma source(%dma_start3A_198 : memref<10240x64xf32, #tpu.memory_space<hbm>>) target(%dma_start3A_192 : memref<128x64xf32, #tpu.memory_space<vmem>>) offsets(%dma_start3A_195 : memref<128xi32, #tpu.memory_space<vmem>>) semaphore(%arg12 : memref<!tpu.dma_semaphore, #tpu.memory_space<semaphore_mem>>)
        } else {
        }
        %eq3A_184 = arith.constant 1 : i32
        %eq3A_185 = arith.cmpi eq, %arg0, %eq3A_184 : i32
        %convert_element_type3A_186 = arith.extui %eq3A_185 : i1 to i32
        %cond3A_187 = arith.constant 0 : i32
        %cond3A_188 = arith.cmpi ne, %convert_element_type3A_186, %cond3A_187 : i32
        scf.if %cond3A_188 {
          %dma_start3A = arith.constant 0 : i32
          %dma_start3A_189 = arith.constant 0 : i32
          %dma_start3A_190 = arith.constant 0 : i32
          %dma_start3A_191 = tpu.memref_slice %arg10[%dma_start3A, %dma_start3A_189, %dma_start3A_190] : memref<4x128x64xf32, #tpu.memory_space<vmem>> -> memref<1x128x64xf32, #tpu.memory_space<vmem>>
          %dma_start3A_192 = tpu.memref_squeeze %dma_start3A_191 : memref<1x128x64xf32, #tpu.memory_space<vmem>> -> memref<128x64xf32, #tpu.memory_space<vmem>>
          %dma_start3A_193 = arith.constant 0 : i32
          %dma_start3A_194 = tpu.memref_slice %arg8[%add3A_178, %dma_start3A_193] : memref<160x128xi32, #tpu.memory_space<vmem>> -> memref<1x128xi32, #tpu.memory_space<vmem>>
          %dma_start3A_195 = tpu.memref_squeeze %dma_start3A_194 : memref<1x128xi32, #tpu.memory_space<vmem>> -> memref<128xi32, #tpu.memory_space<vmem>>
          %dma_start3A_196 = arith.constant 0 : i32
          %dma_start3A_197 = arith.constant 0 : i32
          %dma_start3A_198 = tpu.memref_slice %arg5[%dma_start3A_196, %dma_start3A_197] : memref<10240x64xf32, #tpu.memory_space<hbm>> -> memref<10240x64xf32, #tpu.memory_space<hbm>>
          tpu.enqueue_indirect_dma source(%dma_start3A_198 : memref<10240x64xf32, #tpu.memory_space<hbm>>) target(%dma_start3A_192 : memref<128x64xf32, #tpu.memory_space<vmem>>) offsets(%dma_start3A_195 : memref<128xi32, #tpu.memory_space<vmem>>) semaphore(%arg12 : memref<!tpu.dma_semaphore, #tpu.memory_space<semaphore_mem>>)
        } else {
        }
      } else {
      }
      %mul3A_105 = arith.constant 4 : i32
      %mul3A_106 = arith.muli %mul3A_105, %scan3A_82 : i32
      %add3A_107 = arith.constant 1 : i32
      %add3A_108 = arith.addi %mul3A_106, %add3A_107 : i32
      %dma_wait3A_109 = arith.constant 0 : i32
      %dma_wait3A_110 = arith.constant 1 : i32
      %dma_wait3A_111 = arith.constant 0 : i32
      %dma_wait3A_112 = arith.constant 0 : i32
      %dma_wait3A_113 = tpu.memref_slice %arg10[%dma_wait3A_110, %dma_wait3A_111, %dma_wait3A_112] : memref<4x128x64xf32, #tpu.memory_space<vmem>> -> memref<1x128x64xf32, #tpu.memory_space<vmem>>
      %dma_wait3A_114 = tpu.memref_squeeze %dma_wait3A_113 : memref<1x128x64xf32, #tpu.memory_space<vmem>> -> memref<128x64xf32, #tpu.memory_space<vmem>>
      %dma_wait3A_115 = arith.constant 0 : i32
      %dma_wait3A_116 = tpu.memref_slice %arg8[%dma_wait3A_109, %dma_wait3A_115] : memref<160x128xi32, #tpu.memory_space<vmem>> -> memref<1x128xi32, #tpu.memory_space<vmem>>
      %dma_wait3A_117 = tpu.memref_squeeze %dma_wait3A_116 : memref<1x128xi32, #tpu.memory_space<vmem>> -> memref<128xi32, #tpu.memory_space<vmem>>
      %dma_wait3A_118 = arith.constant 0 : i32
      %dma_wait3A_119 = arith.constant 0 : i32
      %dma_wait3A_120 = tpu.memref_slice %arg4[%dma_wait3A_118, %dma_wait3A_119] : memref<10240x64xf32, #tpu.memory_space<hbm>> -> memref<10240x64xf32, #tpu.memory_space<hbm>>
      tpu.wait_indirect_dma semaphore(%arg13 : memref<!tpu.dma_semaphore, #tpu.memory_space<semaphore_mem>>) src(%dma_wait3A_120 : memref<10240x64xf32, #tpu.memory_space<hbm>>) dst(%dma_wait3A_114 : memref<128x64xf32, #tpu.memory_space<vmem>>)
      %run_scoped3A_121 = arith.constant 1 : i32
      "tpu.region"() ({
        %run_scoped3A_177 = tpu.sem_alloc : memref<!tpu.dma_semaphore, #tpu.memory_space<semaphore_mem>>
        %dma_start3A = arith.constant 0 : i32
        %dma_start3A_178 = arith.constant 0 : i32
        %dma_start3A_179 = tpu.memref_slice %arg10[%run_scoped3A_121, %dma_start3A, %dma_start3A_178] : memref<4x128x64xf32, #tpu.memory_space<vmem>> -> memref<1x128x64xf32, #tpu.memory_space<vmem>>
        %dma_start3A_180 = tpu.memref_squeeze %dma_start3A_179 : memref<1x128x64xf32, #tpu.memory_space<vmem>> -> memref<128x64xf32, #tpu.memory_space<vmem>>
        %dma_start3A_181 = arith.constant 0 : i32
        %dma_start3A_182 = tpu.memref_slice %arg9[%add3A_108, %dma_start3A_181] : memref<160x128xi32, #tpu.memory_space<vmem>> -> memref<1x128xi32, #tpu.memory_space<vmem>>
        %dma_start3A_183 = tpu.memref_squeeze %dma_start3A_182 : memref<1x128xi32, #tpu.memory_space<vmem>> -> memref<128xi32, #tpu.memory_space<vmem>>
        %dma_start3A_184 = arith.constant 0 : i32
        %dma_start3A_185 = arith.constant 0 : i32
        %dma_start3A_186 = tpu.memref_slice %arg11[%dma_start3A_184, %dma_start3A_185] : memref<10240x64xf32, #tpu.memory_space<vmem_shared>> -> memref<10240x64xf32, #tpu.memory_space<vmem_shared>>
        tpu.enqueue_indirect_dma source(%dma_start3A_180 : memref<128x64xf32, #tpu.memory_space<vmem>>) target(%dma_start3A_186 : memref<10240x64xf32, #tpu.memory_space<vmem_shared>>) offsets(%dma_start3A_183 : memref<128xi32, #tpu.memory_space<vmem>>) semaphore(%run_scoped3A_177 : memref<!tpu.dma_semaphore, #tpu.memory_space<semaphore_mem>>) {add = true}
        %dma_wait3A_187 = arith.constant 0 : i32
        %dma_wait3A_188 = arith.constant 0 : i32
        %dma_wait3A_189 = tpu.memref_slice %arg10[%run_scoped3A_121, %dma_wait3A_187, %dma_wait3A_188] : memref<4x128x64xf32, #tpu.memory_space<vmem>> -> memref<1x128x64xf32, #tpu.memory_space<vmem>>
        %dma_wait3A_190 = tpu.memref_squeeze %dma_wait3A_189 : memref<1x128x64xf32, #tpu.memory_space<vmem>> -> memref<128x64xf32, #tpu.memory_space<vmem>>
        %dma_wait3A_191 = arith.constant 0 : i32
        %dma_wait3A_192 = tpu.memref_slice %arg9[%add3A_108, %dma_wait3A_191] : memref<160x128xi32, #tpu.memory_space<vmem>> -> memref<1x128xi32, #tpu.memory_space<vmem>>
        %dma_wait3A_193 = tpu.memref_squeeze %dma_wait3A_192 : memref<1x128xi32, #tpu.memory_space<vmem>> -> memref<128xi32, #tpu.memory_space<vmem>>
        %dma_wait3A_194 = arith.constant 0 : i32
        %dma_wait3A_195 = arith.constant 0 : i32
        %dma_wait3A_196 = tpu.memref_slice %arg11[%dma_wait3A_194, %dma_wait3A_195] : memref<10240x64xf32, #tpu.memory_space<vmem_shared>> -> memref<10240x64xf32, #tpu.memory_space<vmem_shared>>
        tpu.wait_indirect_dma semaphore(%run_scoped3A_177 : memref<!tpu.dma_semaphore, #tpu.memory_space<semaphore_mem>>) src(%dma_wait3A_190 : memref<128x64xf32, #tpu.memory_space<vmem>>) dst(%dma_wait3A_196 : memref<10240x64xf32, #tpu.memory_space<vmem_shared>>)
        tpu.yield
      }) : () -> ()
      %add3A_122 = arith.constant 4 : i32
      %add3A_123 = arith.addi %add3A_108, %add3A_122 : i32
      %lt3A_124 = arith.constant 160 : i32
      %lt3A_125 = arith.cmpi slt, %add3A_123, %lt3A_124 : i32
      %convert_element_type3A_126 = arith.extui %lt3A_125 : i1 to i32
      %cond3A_127 = arith.constant 0 : i32
      %cond3A_128 = arith.cmpi ne, %convert_element_type3A_126, %cond3A_127 : i32
      scf.if %cond3A_128 {
        %add3A_177 = arith.constant 4 : i32
        %add3A_178 = arith.addi %add3A_108, %add3A_177 : i32
        %eq3A_179 = arith.constant 0 : i32
        %eq3A_180 = arith.cmpi eq, %arg0, %eq3A_179 : i32
        %convert_element_type3A_181 = arith.extui %eq3A_180 : i1 to i32
        %cond3A_182 = arith.constant 0 : i32
        %cond3A_183 = arith.cmpi ne, %convert_element_type3A_181, %cond3A_182 : i32
        scf.if %cond3A_183 {
          %dma_start3A = arith.constant 1 : i32
          %dma_start3A_189 = arith.constant 0 : i32
          %dma_start3A_190 = arith.constant 0 : i32
          %dma_start3A_191 = tpu.memref_slice %arg10[%dma_start3A, %dma_start3A_189, %dma_start3A_190] : memref<4x128x64xf32, #tpu.memory_space<vmem>> -> memref<1x128x64xf32, #tpu.memory_space<vmem>>
          %dma_start3A_192 = tpu.memref_squeeze %dma_start3A_191 : memref<1x128x64xf32, #tpu.memory_space<vmem>> -> memref<128x64xf32, #tpu.memory_space<vmem>>
          %dma_start3A_193 = arith.constant 0 : i32
          %dma_start3A_194 = tpu.memref_slice %arg8[%add3A_178, %dma_start3A_193] : memref<160x128xi32, #tpu.memory_space<vmem>> -> memref<1x128xi32, #tpu.memory_space<vmem>>
          %dma_start3A_195 = tpu.memref_squeeze %dma_start3A_194 : memref<1x128xi32, #tpu.memory_space<vmem>> -> memref<128xi32, #tpu.memory_space<vmem>>
          %dma_start3A_196 = arith.constant 0 : i32
          %dma_start3A_197 = arith.constant 0 : i32
          %dma_start3A_198 = tpu.memref_slice %arg4[%dma_start3A_196, %dma_start3A_197] : memref<10240x64xf32, #tpu.memory_space<hbm>> -> memref<10240x64xf32, #tpu.memory_space<hbm>>
          tpu.enqueue_indirect_dma source(%dma_start3A_198 : memref<10240x64xf32, #tpu.memory_space<hbm>>) target(%dma_start3A_192 : memref<128x64xf32, #tpu.memory_space<vmem>>) offsets(%dma_start3A_195 : memref<128xi32, #tpu.memory_space<vmem>>) semaphore(%arg13 : memref<!tpu.dma_semaphore, #tpu.memory_space<semaphore_mem>>)
        } else {
        }
        %eq3A_184 = arith.constant 1 : i32
        %eq3A_185 = arith.cmpi eq, %arg0, %eq3A_184 : i32
        %convert_element_type3A_186 = arith.extui %eq3A_185 : i1 to i32
        %cond3A_187 = arith.constant 0 : i32
        %cond3A_188 = arith.cmpi ne, %convert_element_type3A_186, %cond3A_187 : i32
        scf.if %cond3A_188 {
          %dma_start3A = arith.constant 1 : i32
          %dma_start3A_189 = arith.constant 0 : i32
          %dma_start3A_190 = arith.constant 0 : i32
          %dma_start3A_191 = tpu.memref_slice %arg10[%dma_start3A, %dma_start3A_189, %dma_start3A_190] : memref<4x128x64xf32, #tpu.memory_space<vmem>> -> memref<1x128x64xf32, #tpu.memory_space<vmem>>
          %dma_start3A_192 = tpu.memref_squeeze %dma_start3A_191 : memref<1x128x64xf32, #tpu.memory_space<vmem>> -> memref<128x64xf32, #tpu.memory_space<vmem>>
          %dma_start3A_193 = arith.constant 0 : i32
          %dma_start3A_194 = tpu.memref_slice %arg8[%add3A_178, %dma_start3A_193] : memref<160x128xi32, #tpu.memory_space<vmem>> -> memref<1x128xi32, #tpu.memory_space<vmem>>
          %dma_start3A_195 = tpu.memref_squeeze %dma_start3A_194 : memref<1x128xi32, #tpu.memory_space<vmem>> -> memref<128xi32, #tpu.memory_space<vmem>>
          %dma_start3A_196 = arith.constant 0 : i32
          %dma_start3A_197 = arith.constant 0 : i32
          %dma_start3A_198 = tpu.memref_slice %arg5[%dma_start3A_196, %dma_start3A_197] : memref<10240x64xf32, #tpu.memory_space<hbm>> -> memref<10240x64xf32, #tpu.memory_space<hbm>>
          tpu.enqueue_indirect_dma source(%dma_start3A_198 : memref<10240x64xf32, #tpu.memory_space<hbm>>) target(%dma_start3A_192 : memref<128x64xf32, #tpu.memory_space<vmem>>) offsets(%dma_start3A_195 : memref<128xi32, #tpu.memory_space<vmem>>) semaphore(%arg13 : memref<!tpu.dma_semaphore, #tpu.memory_space<semaphore_mem>>)
        } else {
        }
      } else {
      }
      %mul3A_129 = arith.constant 4 : i32
      %mul3A_130 = arith.muli %mul3A_129, %scan3A_82 : i32
      %add3A_131 = arith.constant 2 : i32
      %add3A_132 = arith.addi %mul3A_130, %add3A_131 : i32
      %dma_wait3A_133 = arith.constant 0 : i32
      %dma_wait3A_134 = arith.constant 2 : i32
      %dma_wait3A_135 = arith.constant 0 : i32
      %dma_wait3A_136 = arith.constant 0 : i32
      %dma_wait3A_137 = tpu.memref_slice %arg10[%dma_wait3A_134, %dma_wait3A_135, %dma_wait3A_136] : memref<4x128x64xf32, #tpu.memory_space<vmem>> -> memref<1x128x64xf32, #tpu.memory_space<vmem>>
      %dma_wait3A_138 = tpu.memref_squeeze %dma_wait3A_137 : memref<1x128x64xf32, #tpu.memory_space<vmem>> -> memref<128x64xf32, #tpu.memory_space<vmem>>
      %dma_wait3A_139 = arith.constant 0 : i32
      %dma_wait3A_140 = tpu.memref_slice %arg8[%dma_wait3A_133, %dma_wait3A_139] : memref<160x128xi32, #tpu.memory_space<vmem>> -> memref<1x128xi32, #tpu.memory_space<vmem>>
      %dma_wait3A_141 = tpu.memref_squeeze %dma_wait3A_140 : memref<1x128xi32, #tpu.memory_space<vmem>> -> memref<128xi32, #tpu.memory_space<vmem>>
      %dma_wait3A_142 = arith.constant 0 : i32
      %dma_wait3A_143 = arith.constant 0 : i32
      %dma_wait3A_144 = tpu.memref_slice %arg4[%dma_wait3A_142, %dma_wait3A_143] : memref<10240x64xf32, #tpu.memory_space<hbm>> -> memref<10240x64xf32, #tpu.memory_space<hbm>>
      tpu.wait_indirect_dma semaphore(%arg14 : memref<!tpu.dma_semaphore, #tpu.memory_space<semaphore_mem>>) src(%dma_wait3A_144 : memref<10240x64xf32, #tpu.memory_space<hbm>>) dst(%dma_wait3A_138 : memref<128x64xf32, #tpu.memory_space<vmem>>)
      %run_scoped3A_145 = arith.constant 2 : i32
      "tpu.region"() ({
        %run_scoped3A_177 = tpu.sem_alloc : memref<!tpu.dma_semaphore, #tpu.memory_space<semaphore_mem>>
        %dma_start3A = arith.constant 0 : i32
        %dma_start3A_178 = arith.constant 0 : i32
        %dma_start3A_179 = tpu.memref_slice %arg10[%run_scoped3A_145, %dma_start3A, %dma_start3A_178] : memref<4x128x64xf32, #tpu.memory_space<vmem>> -> memref<1x128x64xf32, #tpu.memory_space<vmem>>
        %dma_start3A_180 = tpu.memref_squeeze %dma_start3A_179 : memref<1x128x64xf32, #tpu.memory_space<vmem>> -> memref<128x64xf32, #tpu.memory_space<vmem>>
        %dma_start3A_181 = arith.constant 0 : i32
        %dma_start3A_182 = tpu.memref_slice %arg9[%add3A_132, %dma_start3A_181] : memref<160x128xi32, #tpu.memory_space<vmem>> -> memref<1x128xi32, #tpu.memory_space<vmem>>
        %dma_start3A_183 = tpu.memref_squeeze %dma_start3A_182 : memref<1x128xi32, #tpu.memory_space<vmem>> -> memref<128xi32, #tpu.memory_space<vmem>>
        %dma_start3A_184 = arith.constant 0 : i32
        %dma_start3A_185 = arith.constant 0 : i32
        %dma_start3A_186 = tpu.memref_slice %arg11[%dma_start3A_184, %dma_start3A_185] : memref<10240x64xf32, #tpu.memory_space<vmem_shared>> -> memref<10240x64xf32, #tpu.memory_space<vmem_shared>>
        tpu.enqueue_indirect_dma source(%dma_start3A_180 : memref<128x64xf32, #tpu.memory_space<vmem>>) target(%dma_start3A_186 : memref<10240x64xf32, #tpu.memory_space<vmem_shared>>) offsets(%dma_start3A_183 : memref<128xi32, #tpu.memory_space<vmem>>) semaphore(%run_scoped3A_177 : memref<!tpu.dma_semaphore, #tpu.memory_space<semaphore_mem>>) {add = true}
        %dma_wait3A_187 = arith.constant 0 : i32
        %dma_wait3A_188 = arith.constant 0 : i32
        %dma_wait3A_189 = tpu.memref_slice %arg10[%run_scoped3A_145, %dma_wait3A_187, %dma_wait3A_188] : memref<4x128x64xf32, #tpu.memory_space<vmem>> -> memref<1x128x64xf32, #tpu.memory_space<vmem>>
        %dma_wait3A_190 = tpu.memref_squeeze %dma_wait3A_189 : memref<1x128x64xf32, #tpu.memory_space<vmem>> -> memref<128x64xf32, #tpu.memory_space<vmem>>
        %dma_wait3A_191 = arith.constant 0 : i32
        %dma_wait3A_192 = tpu.memref_slice %arg9[%add3A_132, %dma_wait3A_191] : memref<160x128xi32, #tpu.memory_space<vmem>> -> memref<1x128xi32, #tpu.memory_space<vmem>>
        %dma_wait3A_193 = tpu.memref_squeeze %dma_wait3A_192 : memref<1x128xi32, #tpu.memory_space<vmem>> -> memref<128xi32, #tpu.memory_space<vmem>>
        %dma_wait3A_194 = arith.constant 0 : i32
        %dma_wait3A_195 = arith.constant 0 : i32
        %dma_wait3A_196 = tpu.memref_slice %arg11[%dma_wait3A_194, %dma_wait3A_195] : memref<10240x64xf32, #tpu.memory_space<vmem_shared>> -> memref<10240x64xf32, #tpu.memory_space<vmem_shared>>
        tpu.wait_indirect_dma semaphore(%run_scoped3A_177 : memref<!tpu.dma_semaphore, #tpu.memory_space<semaphore_mem>>) src(%dma_wait3A_190 : memref<128x64xf32, #tpu.memory_space<vmem>>) dst(%dma_wait3A_196 : memref<10240x64xf32, #tpu.memory_space<vmem_shared>>)
        tpu.yield
      }) : () -> ()
      %add3A_146 = arith.constant 4 : i32
      %add3A_147 = arith.addi %add3A_132, %add3A_146 : i32
      %lt3A_148 = arith.constant 160 : i32
      %lt3A_149 = arith.cmpi slt, %add3A_147, %lt3A_148 : i32
      %convert_element_type3A_150 = arith.extui %lt3A_149 : i1 to i32
      %cond3A_151 = arith.constant 0 : i32
      %cond3A_152 = arith.cmpi ne, %convert_element_type3A_150, %cond3A_151 : i32
      scf.if %cond3A_152 {
        %add3A_177 = arith.constant 4 : i32
        %add3A_178 = arith.addi %add3A_132, %add3A_177 : i32
        %eq3A_179 = arith.constant 0 : i32
        %eq3A_180 = arith.cmpi eq, %arg0, %eq3A_179 : i32
        %convert_element_type3A_181 = arith.extui %eq3A_180 : i1 to i32
        %cond3A_182 = arith.constant 0 : i32
        %cond3A_183 = arith.cmpi ne, %convert_element_type3A_181, %cond3A_182 : i32
        scf.if %cond3A_183 {
          %dma_start3A = arith.constant 2 : i32
          %dma_start3A_189 = arith.constant 0 : i32
          %dma_start3A_190 = arith.constant 0 : i32
          %dma_start3A_191 = tpu.memref_slice %arg10[%dma_start3A, %dma_start3A_189, %dma_start3A_190] : memref<4x128x64xf32, #tpu.memory_space<vmem>> -> memref<1x128x64xf32, #tpu.memory_space<vmem>>
          %dma_start3A_192 = tpu.memref_squeeze %dma_start3A_191 : memref<1x128x64xf32, #tpu.memory_space<vmem>> -> memref<128x64xf32, #tpu.memory_space<vmem>>
          %dma_start3A_193 = arith.constant 0 : i32
          %dma_start3A_194 = tpu.memref_slice %arg8[%add3A_178, %dma_start3A_193] : memref<160x128xi32, #tpu.memory_space<vmem>> -> memref<1x128xi32, #tpu.memory_space<vmem>>
          %dma_start3A_195 = tpu.memref_squeeze %dma_start3A_194 : memref<1x128xi32, #tpu.memory_space<vmem>> -> memref<128xi32, #tpu.memory_space<vmem>>
          %dma_start3A_196 = arith.constant 0 : i32
          %dma_start3A_197 = arith.constant 0 : i32
          %dma_start3A_198 = tpu.memref_slice %arg4[%dma_start3A_196, %dma_start3A_197] : memref<10240x64xf32, #tpu.memory_space<hbm>> -> memref<10240x64xf32, #tpu.memory_space<hbm>>
          tpu.enqueue_indirect_dma source(%dma_start3A_198 : memref<10240x64xf32, #tpu.memory_space<hbm>>) target(%dma_start3A_192 : memref<128x64xf32, #tpu.memory_space<vmem>>) offsets(%dma_start3A_195 : memref<128xi32, #tpu.memory_space<vmem>>) semaphore(%arg14 : memref<!tpu.dma_semaphore, #tpu.memory_space<semaphore_mem>>)
        } else {
        }
        %eq3A_184 = arith.constant 1 : i32
        %eq3A_185 = arith.cmpi eq, %arg0, %eq3A_184 : i32
        %convert_element_type3A_186 = arith.extui %eq3A_185 : i1 to i32
        %cond3A_187 = arith.constant 0 : i32
        %cond3A_188 = arith.cmpi ne, %convert_element_type3A_186, %cond3A_187 : i32
        scf.if %cond3A_188 {
          %dma_start3A = arith.constant 2 : i32
          %dma_start3A_189 = arith.constant 0 : i32
          %dma_start3A_190 = arith.constant 0 : i32
          %dma_start3A_191 = tpu.memref_slice %arg10[%dma_start3A, %dma_start3A_189, %dma_start3A_190] : memref<4x128x64xf32, #tpu.memory_space<vmem>> -> memref<1x128x64xf32, #tpu.memory_space<vmem>>
          %dma_start3A_192 = tpu.memref_squeeze %dma_start3A_191 : memref<1x128x64xf32, #tpu.memory_space<vmem>> -> memref<128x64xf32, #tpu.memory_space<vmem>>
          %dma_start3A_193 = arith.constant 0 : i32
          %dma_start3A_194 = tpu.memref_slice %arg8[%add3A_178, %dma_start3A_193] : memref<160x128xi32, #tpu.memory_space<vmem>> -> memref<1x128xi32, #tpu.memory_space<vmem>>
          %dma_start3A_195 = tpu.memref_squeeze %dma_start3A_194 : memref<1x128xi32, #tpu.memory_space<vmem>> -> memref<128xi32, #tpu.memory_space<vmem>>
          %dma_start3A_196 = arith.constant 0 : i32
          %dma_start3A_197 = arith.constant 0 : i32
          %dma_start3A_198 = tpu.memref_slice %arg5[%dma_start3A_196, %dma_start3A_197] : memref<10240x64xf32, #tpu.memory_space<hbm>> -> memref<10240x64xf32, #tpu.memory_space<hbm>>
          tpu.enqueue_indirect_dma source(%dma_start3A_198 : memref<10240x64xf32, #tpu.memory_space<hbm>>) target(%dma_start3A_192 : memref<128x64xf32, #tpu.memory_space<vmem>>) offsets(%dma_start3A_195 : memref<128xi32, #tpu.memory_space<vmem>>) semaphore(%arg14 : memref<!tpu.dma_semaphore, #tpu.memory_space<semaphore_mem>>)
        } else {
        }
      } else {
      }
      %mul3A_153 = arith.constant 4 : i32
      %mul3A_154 = arith.muli %mul3A_153, %scan3A_82 : i32
      %add3A_155 = arith.constant 3 : i32
      %add3A_156 = arith.addi %mul3A_154, %add3A_155 : i32
      %dma_wait3A_157 = arith.constant 0 : i32
      %dma_wait3A_158 = arith.constant 3 : i32
      %dma_wait3A_159 = arith.constant 0 : i32
      %dma_wait3A_160 = arith.constant 0 : i32
      %dma_wait3A_161 = tpu.memref_slice %arg10[%dma_wait3A_158, %dma_wait3A_159, %dma_wait3A_160] : memref<4x128x64xf32, #tpu.memory_space<vmem>> -> memref<1x128x64xf32, #tpu.memory_space<vmem>>
      %dma_wait3A_162 = tpu.memref_squeeze %dma_wait3A_161 : memref<1x128x64xf32, #tpu.memory_space<vmem>> -> memref<128x64xf32, #tpu.memory_space<vmem>>
      %dma_wait3A_163 = arith.constant 0 : i32
      %dma_wait3A_164 = tpu.memref_slice %arg8[%dma_wait3A_157, %dma_wait3A_163] : memref<160x128xi32, #tpu.memory_space<vmem>> -> memref<1x128xi32, #tpu.memory_space<vmem>>
      %dma_wait3A_165 = tpu.memref_squeeze %dma_wait3A_164 : memref<1x128xi32, #tpu.memory_space<vmem>> -> memref<128xi32, #tpu.memory_space<vmem>>
      %dma_wait3A_166 = arith.constant 0 : i32
      %dma_wait3A_167 = arith.constant 0 : i32
      %dma_wait3A_168 = tpu.memref_slice %arg4[%dma_wait3A_166, %dma_wait3A_167] : memref<10240x64xf32, #tpu.memory_space<hbm>> -> memref<10240x64xf32, #tpu.memory_space<hbm>>
      tpu.wait_indirect_dma semaphore(%arg15 : memref<!tpu.dma_semaphore, #tpu.memory_space<semaphore_mem>>) src(%dma_wait3A_168 : memref<10240x64xf32, #tpu.memory_space<hbm>>) dst(%dma_wait3A_162 : memref<128x64xf32, #tpu.memory_space<vmem>>)
      %run_scoped3A_169 = arith.constant 3 : i32
      "tpu.region"() ({
        %run_scoped3A_177 = tpu.sem_alloc : memref<!tpu.dma_semaphore, #tpu.memory_space<semaphore_mem>>
        %dma_start3A = arith.constant 0 : i32
        %dma_start3A_178 = arith.constant 0 : i32
        %dma_start3A_179 = tpu.memref_slice %arg10[%run_scoped3A_169, %dma_start3A, %dma_start3A_178] : memref<4x128x64xf32, #tpu.memory_space<vmem>> -> memref<1x128x64xf32, #tpu.memory_space<vmem>>
        %dma_start3A_180 = tpu.memref_squeeze %dma_start3A_179 : memref<1x128x64xf32, #tpu.memory_space<vmem>> -> memref<128x64xf32, #tpu.memory_space<vmem>>
        %dma_start3A_181 = arith.constant 0 : i32
        %dma_start3A_182 = tpu.memref_slice %arg9[%add3A_156, %dma_start3A_181] : memref<160x128xi32, #tpu.memory_space<vmem>> -> memref<1x128xi32, #tpu.memory_space<vmem>>
        %dma_start3A_183 = tpu.memref_squeeze %dma_start3A_182 : memref<1x128xi32, #tpu.memory_space<vmem>> -> memref<128xi32, #tpu.memory_space<vmem>>
        %dma_start3A_184 = arith.constant 0 : i32
        %dma_start3A_185 = arith.constant 0 : i32
        %dma_start3A_186 = tpu.memref_slice %arg11[%dma_start3A_184, %dma_start3A_185] : memref<10240x64xf32, #tpu.memory_space<vmem_shared>> -> memref<10240x64xf32, #tpu.memory_space<vmem_shared>>
        tpu.enqueue_indirect_dma source(%dma_start3A_180 : memref<128x64xf32, #tpu.memory_space<vmem>>) target(%dma_start3A_186 : memref<10240x64xf32, #tpu.memory_space<vmem_shared>>) offsets(%dma_start3A_183 : memref<128xi32, #tpu.memory_space<vmem>>) semaphore(%run_scoped3A_177 : memref<!tpu.dma_semaphore, #tpu.memory_space<semaphore_mem>>) {add = true}
        %dma_wait3A_187 = arith.constant 0 : i32
        %dma_wait3A_188 = arith.constant 0 : i32
        %dma_wait3A_189 = tpu.memref_slice %arg10[%run_scoped3A_169, %dma_wait3A_187, %dma_wait3A_188] : memref<4x128x64xf32, #tpu.memory_space<vmem>> -> memref<1x128x64xf32, #tpu.memory_space<vmem>>
        %dma_wait3A_190 = tpu.memref_squeeze %dma_wait3A_189 : memref<1x128x64xf32, #tpu.memory_space<vmem>> -> memref<128x64xf32, #tpu.memory_space<vmem>>
        %dma_wait3A_191 = arith.constant 0 : i32
        %dma_wait3A_192 = tpu.memref_slice %arg9[%add3A_156, %dma_wait3A_191] : memref<160x128xi32, #tpu.memory_space<vmem>> -> memref<1x128xi32, #tpu.memory_space<vmem>>
        %dma_wait3A_193 = tpu.memref_squeeze %dma_wait3A_192 : memref<1x128xi32, #tpu.memory_space<vmem>> -> memref<128xi32, #tpu.memory_space<vmem>>
        %dma_wait3A_194 = arith.constant 0 : i32
        %dma_wait3A_195 = arith.constant 0 : i32
        %dma_wait3A_196 = tpu.memref_slice %arg11[%dma_wait3A_194, %dma_wait3A_195] : memref<10240x64xf32, #tpu.memory_space<vmem_shared>> -> memref<10240x64xf32, #tpu.memory_space<vmem_shared>>
        tpu.wait_indirect_dma semaphore(%run_scoped3A_177 : memref<!tpu.dma_semaphore, #tpu.memory_space<semaphore_mem>>) src(%dma_wait3A_190 : memref<128x64xf32, #tpu.memory_space<vmem>>) dst(%dma_wait3A_196 : memref<10240x64xf32, #tpu.memory_space<vmem_shared>>)
        tpu.yield
      }) : () -> ()
      %add3A_170 = arith.constant 4 : i32
      %add3A_171 = arith.addi %add3A_156, %add3A_170 : i32
      %lt3A_172 = arith.constant 160 : i32
      %lt3A_173 = arith.cmpi slt, %add3A_171, %lt3A_172 : i32
      %convert_element_type3A_174 = arith.extui %lt3A_173 : i1 to i32
      %cond3A_175 = arith.constant 0 : i32
      %cond3A_176 = arith.cmpi ne, %convert_element_type3A_174, %cond3A_175 : i32
      scf.if %cond3A_176 {
        %add3A_177 = arith.constant 4 : i32
        %add3A_178 = arith.addi %add3A_156, %add3A_177 : i32
        %eq3A_179 = arith.constant 0 : i32
        %eq3A_180 = arith.cmpi eq, %arg0, %eq3A_179 : i32
        %convert_element_type3A_181 = arith.extui %eq3A_180 : i1 to i32
        %cond3A_182 = arith.constant 0 : i32
        %cond3A_183 = arith.cmpi ne, %convert_element_type3A_181, %cond3A_182 : i32
        scf.if %cond3A_183 {
          %dma_start3A = arith.constant 3 : i32
          %dma_start3A_189 = arith.constant 0 : i32
          %dma_start3A_190 = arith.constant 0 : i32
          %dma_start3A_191 = tpu.memref_slice %arg10[%dma_start3A, %dma_start3A_189, %dma_start3A_190] : memref<4x128x64xf32, #tpu.memory_space<vmem>> -> memref<1x128x64xf32, #tpu.memory_space<vmem>>
          %dma_start3A_192 = tpu.memref_squeeze %dma_start3A_191 : memref<1x128x64xf32, #tpu.memory_space<vmem>> -> memref<128x64xf32, #tpu.memory_space<vmem>>
          %dma_start3A_193 = arith.constant 0 : i32
          %dma_start3A_194 = tpu.memref_slice %arg8[%add3A_178, %dma_start3A_193] : memref<160x128xi32, #tpu.memory_space<vmem>> -> memref<1x128xi32, #tpu.memory_space<vmem>>
          %dma_start3A_195 = tpu.memref_squeeze %dma_start3A_194 : memref<1x128xi32, #tpu.memory_space<vmem>> -> memref<128xi32, #tpu.memory_space<vmem>>
          %dma_start3A_196 = arith.constant 0 : i32
          %dma_start3A_197 = arith.constant 0 : i32
          %dma_start3A_198 = tpu.memref_slice %arg4[%dma_start3A_196, %dma_start3A_197] : memref<10240x64xf32, #tpu.memory_space<hbm>> -> memref<10240x64xf32, #tpu.memory_space<hbm>>
          tpu.enqueue_indirect_dma source(%dma_start3A_198 : memref<10240x64xf32, #tpu.memory_space<hbm>>) target(%dma_start3A_192 : memref<128x64xf32, #tpu.memory_space<vmem>>) offsets(%dma_start3A_195 : memref<128xi32, #tpu.memory_space<vmem>>) semaphore(%arg15 : memref<!tpu.dma_semaphore, #tpu.memory_space<semaphore_mem>>)
        } else {
        }
        %eq3A_184 = arith.constant 1 : i32
        %eq3A_185 = arith.cmpi eq, %arg0, %eq3A_184 : i32
        %convert_element_type3A_186 = arith.extui %eq3A_185 : i1 to i32
        %cond3A_187 = arith.constant 0 : i32
        %cond3A_188 = arith.cmpi ne, %convert_element_type3A_186, %cond3A_187 : i32
        scf.if %cond3A_188 {
          %dma_start3A = arith.constant 3 : i32
          %dma_start3A_189 = arith.constant 0 : i32
          %dma_start3A_190 = arith.constant 0 : i32
          %dma_start3A_191 = tpu.memref_slice %arg10[%dma_start3A, %dma_start3A_189, %dma_start3A_190] : memref<4x128x64xf32, #tpu.memory_space<vmem>> -> memref<1x128x64xf32, #tpu.memory_space<vmem>>
          %dma_start3A_192 = tpu.memref_squeeze %dma_start3A_191 : memref<1x128x64xf32, #tpu.memory_space<vmem>> -> memref<128x64xf32, #tpu.memory_space<vmem>>
          %dma_start3A_193 = arith.constant 0 : i32
          %dma_start3A_194 = tpu.memref_slice %arg8[%add3A_178, %dma_start3A_193] : memref<160x128xi32, #tpu.memory_space<vmem>> -> memref<1x128xi32, #tpu.memory_space<vmem>>
          %dma_start3A_195 = tpu.memref_squeeze %dma_start3A_194 : memref<1x128xi32, #tpu.memory_space<vmem>> -> memref<128xi32, #tpu.memory_space<vmem>>
          %dma_start3A_196 = arith.constant 0 : i32
          %dma_start3A_197 = arith.constant 0 : i32
          %dma_start3A_198 = tpu.memref_slice %arg5[%dma_start3A_196, %dma_start3A_197] : memref<10240x64xf32, #tpu.memory_space<hbm>> -> memref<10240x64xf32, #tpu.memory_space<hbm>>
          tpu.enqueue_indirect_dma source(%dma_start3A_198 : memref<10240x64xf32, #tpu.memory_space<hbm>>) target(%dma_start3A_192 : memref<128x64xf32, #tpu.memory_space<vmem>>) offsets(%dma_start3A_195 : memref<128xi32, #tpu.memory_space<vmem>>) semaphore(%arg15 : memref<!tpu.dma_semaphore, #tpu.memory_space<semaphore_mem>>)
        } else {
        }
      } else {
      }
    }
    %scan3A_70 = arith.constant 40 : i32
    %barrier3A_71 = arith.constant 0 : index
    tpu.barrier barrier_id(%barrier3A_71)
    %eq3A_72 = arith.constant 0 : i32
    %eq3A_73 = arith.cmpi eq, %arg0, %eq3A_72 : i32
    %convert_element_type3A_74 = arith.extui %eq3A_73 : i1 to i32
    %cond3A_75 = arith.constant 0 : i32
    %cond3A_76 = arith.cmpi ne, %convert_element_type3A_74, %cond3A_75 : i32
    scf.if %cond3A_76 {
      %mul3A_82 = arith.constant 640 : i32
      %mul3A_83 = arith.muli %arg1, %mul3A_82 : i32
      %mul3A_84 = arith.constant 640 : i32
      %mul3A_85 = arith.muli %arg1, %mul3A_84 : i32
      "tpu.region"() ({
        %run_scoped3A_86 = tpu.sem_alloc : memref<!tpu.dma_semaphore, #tpu.memory_space<semaphore_mem>>
        %dma_start3A = arith.constant 0 : i32
        %dma_start3A_87 = tpu.memref_slice %arg6[%mul3A_85, %dma_start3A] : memref<10240x64xf32, #tpu.memory_space<hbm>> -> memref<640x64xf32, #tpu.memory_space<hbm>>
        %dma_start3A_88 = arith.constant 0 : i32
        %dma_start3A_89 = tpu.memref_slice %arg11[%mul3A_83, %dma_start3A_88] : memref<10240x64xf32, #tpu.memory_space<vmem_shared>> -> memref<640x64xf32, #tpu.memory_space<vmem_shared>>
        tpu.enqueue_dma source(%dma_start3A_89 : memref<640x64xf32, #tpu.memory_space<vmem_shared>>) target(%dma_start3A_87 : memref<640x64xf32, #tpu.memory_space<hbm>>) target_semaphore(%run_scoped3A_86 : memref<!tpu.dma_semaphore, #tpu.memory_space<semaphore_mem>>)
        %dma_wait3A = arith.constant 0 : i32
        %dma_wait3A_90 = tpu.memref_slice %arg6[%mul3A_85, %dma_wait3A] : memref<10240x64xf32, #tpu.memory_space<hbm>> -> memref<640x64xf32, #tpu.memory_space<hbm>>
        %dma_wait3A_91 = arith.constant 0 : i32
        %dma_wait3A_92 = tpu.memref_slice %arg11[%mul3A_83, %dma_wait3A_91] : memref<10240x64xf32, #tpu.memory_space<vmem_shared>> -> memref<640x64xf32, #tpu.memory_space<vmem_shared>>
        tpu.wait_dma2 semaphore(%run_scoped3A_86 : memref<!tpu.dma_semaphore, #tpu.memory_space<semaphore_mem>>) src(%dma_wait3A_92 : memref<640x64xf32, #tpu.memory_space<vmem_shared>>) dst(%dma_wait3A_90 : memref<640x64xf32, #tpu.memory_space<hbm>>)
        tpu.yield
      }) : () -> ()
    } else {
    }
    %eq3A_77 = arith.constant 1 : i32
    %eq3A_78 = arith.cmpi eq, %arg0, %eq3A_77 : i32
    %convert_element_type3A_79 = arith.extui %eq3A_78 : i1 to i32
    %cond3A_80 = arith.constant 0 : i32
    %cond3A_81 = arith.cmpi ne, %convert_element_type3A_79, %cond3A_80 : i32
    scf.if %cond3A_81 {
      %mul3A_82 = arith.constant 640 : i32
      %mul3A_83 = arith.muli %arg1, %mul3A_82 : i32
      %mul3A_84 = arith.constant 640 : i32
      %mul3A_85 = arith.muli %arg1, %mul3A_84 : i32
      "tpu.region"() ({
        %run_scoped3A_86 = tpu.sem_alloc : memref<!tpu.dma_semaphore, #tpu.memory_space<semaphore_mem>>
        %dma_start3A = arith.constant 0 : i32
        %dma_start3A_87 = tpu.memref_slice %arg7[%mul3A_85, %dma_start3A] : memref<10240x64xf32, #tpu.memory_space<hbm>> -> memref<640x64xf32, #tpu.memory_space<hbm>>
        %dma_start3A_88 = arith.constant 0 : i32
        %dma_start3A_89 = tpu.memref_slice %arg11[%mul3A_83, %dma_start3A_88] : memref<10240x64xf32, #tpu.memory_space<vmem_shared>> -> memref<640x64xf32, #tpu.memory_space<vmem_shared>>
        tpu.enqueue_dma source(%dma_start3A_89 : memref<640x64xf32, #tpu.memory_space<vmem_shared>>) target(%dma_start3A_87 : memref<640x64xf32, #tpu.memory_space<hbm>>) target_semaphore(%run_scoped3A_86 : memref<!tpu.dma_semaphore, #tpu.memory_space<semaphore_mem>>)
        %dma_wait3A = arith.constant 0 : i32
        %dma_wait3A_90 = tpu.memref_slice %arg7[%mul3A_85, %dma_wait3A] : memref<10240x64xf32, #tpu.memory_space<hbm>> -> memref<640x64xf32, #tpu.memory_space<hbm>>
        %dma_wait3A_91 = arith.constant 0 : i32
        %dma_wait3A_92 = tpu.memref_slice %arg11[%mul3A_83, %dma_wait3A_91] : memref<10240x64xf32, #tpu.memory_space<vmem_shared>> -> memref<640x64xf32, #tpu.memory_space<vmem_shared>>
        tpu.wait_dma2 semaphore(%run_scoped3A_86 : memref<!tpu.dma_semaphore, #tpu.memory_space<semaphore_mem>>) src(%dma_wait3A_92 : memref<640x64xf32, #tpu.memory_space<vmem_shared>>) dst(%dma_wait3A_90 : memref<640x64xf32, #tpu.memory_space<hbm>>)
        tpu.yield
      }) : () -> ()
    } else {
    }
    return
  }
}

module attributes {stable_mosaic.version = 14 : i64} {
  func.func @_mm_scale_body(%arg0: i32, %arg1: memref<1000x128xf32, #tpu.memory_space<vmem>>, %arg2: memref<128x128xf32, #tpu.memory_space<vmem>>, %arg3: memref<1000x32xf32, #tpu.memory_space<vmem>>, %arg4: memref<1000x64xf32, #tpu.memory_space<vmem>>, %arg5: memref<1000x64xf32, #tpu.memory_space<vmem>>) attributes {dimension_semantics = [#tpu.dimension_semantics<arbitrary>], iteration_bounds = array<i64: 10>, scalar_prefetch = 0 : i64, scratch_operands = 0 : i64, tpu.core_type = #tpu.core_type<tc>, window_params = [{transform_indices = @transform_0, window_bounds = array<i64: 1000, 128>}, {pipeline_mode = #tpu.pipeline_mode<synchronous>, transform_indices = @transform_1, window_bounds = array<i64: 128, 128>}, {transform_indices = @transform_2, window_bounds = array<i64: 1000, 32>}, {transform_indices = @transform_3, window_bounds = array<i64: 1000, 64>}, {transform_indices = @transform_4, window_bounds = array<i64: 1000, 64>}]} {
    %get3A = arith.constant 0 : index
    %get3A_0 = arith.constant 0 : index
    %get3A_1 = vector.load %arg3[%get3A, %get3A_0] : memref<1000x32xf32, #tpu.memory_space<vmem>>, vector<1000x32xf32>
    %reduce_sum3A = arith.constant dense<0.000000e+00> : vector<1000xf32>
    %reduce_sum3A_2 = vector.multi_reduction <add>, %get3A_1, %reduce_sum3A [1] : vector<1000x32xf32> to vector<1000xf32>
    %add3A = arith.constant 1.000000e+00 : f32
    %add3A_3 = vector.broadcast %add3A : f32 to vector<1000xf32>
    %add3A_4 = arith.addf %reduce_sum3A_2, %add3A_3 : vector<1000xf32>
    %rsqrt3A = math.rsqrt %add3A_4 : vector<1000xf32>
    %get3A_5 = arith.constant 0 : index
    %get3A_6 = arith.constant 0 : index
    %get3A_7 = vector.load %arg1[%get3A_5, %get3A_6] : memref<1000x128xf32, #tpu.memory_space<vmem>>, vector<1000x128xf32>
    %get3A_8 = arith.constant 0 : index
    %get3A_9 = arith.constant 0 : index
    %get3A_10 = vector.load %arg2[%get3A_8, %get3A_9] : memref<128x128xf32, #tpu.memory_space<vmem>>, vector<128x128xf32>
    %dot_general3A = arith.constant dense<0.000000e+00> : vector<1000x128xf32>
    %dot_general3A_11 = tpu.matmul %get3A_7, %get3A_10, %dot_general3A {dimension_numbers = #tpu.dot_dimension_numbers<[1], [0], [0], [1], [0, 0, 1, 1], [], []>, transpose_lhs_hint = false} : vector<1000x128xf32>, vector<128x128xf32>, vector<1000x128xf32> -> vector<1000x128xf32>
    %broadcast_in_dim3A = vector.shape_cast %rsqrt3A : vector<1000xf32> to vector<1000x1xf32>
    %mul3A = vector.broadcast %broadcast_in_dim3A : vector<1000x1xf32> to vector<1000x128xf32>
    %mul3A_12 = arith.mulf %dot_general3A_11, %mul3A : vector<1000x128xf32>
    %slice3A = vector.extract_strided_slice %mul3A_12 {offsets = [0, 0], sizes = [1000, 64], strides = [1, 1]} : vector<1000x128xf32> to vector<1000x64xf32>
    %swap3A = arith.constant 0 : index
    %swap3A_13 = arith.constant 0 : index
    %swap3A_14 = vector.load %arg4[%swap3A, %swap3A_13] : memref<1000x64xf32, #tpu.memory_space<vmem>>, vector<1000x64xf32>
    tpu.vector_store %arg4[%swap3A, %swap3A_13], %slice3A {strides = array<i32>} : memref<1000x64xf32, #tpu.memory_space<vmem>>, vector<1000x64xf32>,
    %slice3A_15 = vector.extract_strided_slice %mul3A_12 {offsets = [0, 64], sizes = [1000, 64], strides = [1, 1]} : vector<1000x128xf32> to vector<1000x64xf32>
    %swap3A_16 = arith.constant 0 : index
    %swap3A_17 = arith.constant 0 : index
    %swap3A_18 = vector.load %arg5[%swap3A_16, %swap3A_17] : memref<1000x64xf32, #tpu.memory_space<vmem>>, vector<1000x64xf32>
    tpu.vector_store %arg5[%swap3A_16, %swap3A_17], %slice3A_15 {strides = array<i32>} : memref<1000x64xf32, #tpu.memory_space<vmem>>, vector<1000x64xf32>,
    return
  }
  func.func @transform_0(%arg0: i32) -> (i32, i32) {
    %c0_i32 = arith.constant 0 : i32
    %c0_i32_0 = arith.constant 0 : i32
    return %arg0, %c0_i32 : i32, i32
  }
  func.func @transform_1(%arg0: i32) -> (i32, i32) {
    %c0_i32 = arith.constant 0 : i32
    %c0_i32_0 = arith.constant 0 : i32
    %c0_i32_1 = arith.constant 0 : i32
    return %c0_i32, %c0_i32_0 : i32, i32
  }
  func.func @transform_2(%arg0: i32) -> (i32, i32) {
    %c0_i32 = arith.constant 0 : i32
    %c0_i32_0 = arith.constant 0 : i32
    return %arg0, %c0_i32 : i32, i32
  }
  func.func @transform_3(%arg0: i32) -> (i32, i32) {
    %c0_i32 = arith.constant 0 : i32
    %c0_i32_0 = arith.constant 0 : i32
    return %arg0, %c0_i32 : i32, i32
  }
  func.func @transform_4(%arg0: i32) -> (i32, i32) {
    %c0_i32 = arith.constant 0 : i32
    %c0_i32_0 = arith.constant 0 : i32
    return %arg0, %c0_i32 : i32, i32
  }
}

module attributes {stable_mosaic.version = 14 : i64} {
  func.func @_layer2_body(%arg0: i32, %arg1: memref<1000x64xf32, #tpu.memory_space<vmem>>, %arg2: memref<1000x64xf32, #tpu.memory_space<vmem>>, %arg3: memref<1000x64xf32, #tpu.memory_space<vmem>>, %arg4: memref<1000x64xf32, #tpu.memory_space<vmem>>, %arg5: memref<1000x32xf32, #tpu.memory_space<vmem>>, %arg6: memref<1x128xf32, #tpu.memory_space<vmem>>, %arg7: memref<128x1xf32, #tpu.memory_space<vmem>>, %arg8: memref<1000x1xf32, #tpu.memory_space<vmem>>) attributes {dimension_semantics = [#tpu.dimension_semantics<arbitrary>], iteration_bounds = array<i64: 10>, scalar_prefetch = 0 : i64, scratch_operands = 0 : i64, tpu.core_type = #tpu.core_type<tc>, window_params = [{transform_indices = @transform_0, window_bounds = array<i64: 1000, 64>}, {transform_indices = @transform_1, window_bounds = array<i64: 1000, 64>}, {transform_indices = @transform_2, window_bounds = array<i64: 1000, 64>}, {transform_indices = @transform_3, window_bounds = array<i64: 1000, 64>}, {transform_indices = @transform_4, window_bounds = array<i64: 1000, 32>}, {pipeline_mode = #tpu.pipeline_mode<synchronous>, transform_indices = @transform_5, window_bounds = array<i64: 1, 128>}, {pipeline_mode = #tpu.pipeline_mode<synchronous>, transform_indices = @transform_6, window_bounds = array<i64: 128, 1>}, {transform_indices = @transform_7, window_bounds = array<i64: 1000, 1>}]} {
    %get3A = arith.constant 0 : index
    %get3A_0 = arith.constant 0 : index
    %get3A_1 = vector.load %arg5[%get3A, %get3A_0] : memref<1000x32xf32, #tpu.memory_space<vmem>>, vector<1000x32xf32>
    %reduce_sum3A = arith.constant dense<0.000000e+00> : vector<1000xf32>
    %reduce_sum3A_2 = vector.multi_reduction <add>, %get3A_1, %reduce_sum3A [1] : vector<1000x32xf32> to vector<1000xf32>
    %add3A = arith.constant 1.000000e+00 : f32
    %add3A_3 = vector.broadcast %add3A : f32 to vector<1000xf32>
    %add3A_4 = arith.addf %reduce_sum3A_2, %add3A_3 : vector<1000xf32>
    %rsqrt3A = math.rsqrt %add3A_4 : vector<1000xf32>
    %get3A_5 = arith.constant 0 : index
    %get3A_6 = arith.constant 0 : index
    %get3A_7 = vector.load %arg1[%get3A_5, %get3A_6] : memref<1000x64xf32, #tpu.memory_space<vmem>>, vector<1000x64xf32>
    %get3A_8 = arith.constant 0 : index
    %get3A_9 = arith.constant 0 : index
    %get3A_10 = vector.load %arg3[%get3A_8, %get3A_9] : memref<1000x64xf32, #tpu.memory_space<vmem>>, vector<1000x64xf32>
    %add3A_11 = arith.addf %get3A_7, %get3A_10 : vector<1000x64xf32>
    %get3A_12 = arith.constant 0 : index
    %get3A_13 = arith.constant 0 : index
    %get3A_14 = vector.load %arg2[%get3A_12, %get3A_13] : memref<1000x64xf32, #tpu.memory_space<vmem>>, vector<1000x64xf32>
    %get3A_15 = arith.constant 0 : index
    %get3A_16 = arith.constant 0 : index
    %get3A_17 = vector.load %arg4[%get3A_15, %get3A_16] : memref<1000x64xf32, #tpu.memory_space<vmem>>, vector<1000x64xf32>
    %add3A_18 = arith.addf %get3A_14, %get3A_17 : vector<1000x64xf32>
    %concatenate3A = tpu.concatenate %add3A_11, %add3A_18 in 1 : vector<1000x64xf32>, vector<1000x64xf32> -> vector<1000x128xf32>
    %broadcast_in_dim3A = vector.shape_cast %rsqrt3A : vector<1000xf32> to vector<1000x1xf32>
    %mul3A = vector.broadcast %broadcast_in_dim3A : vector<1000x1xf32> to vector<1000x128xf32>
    %mul3A_19 = arith.mulf %concatenate3A, %mul3A : vector<1000x128xf32>
    %get3A_20 = arith.constant 0 : index
    %get3A_21 = arith.constant 0 : index
    %get3A_22 = vector.load %arg6[%get3A_20, %get3A_21] : memref<1x128xf32, #tpu.memory_space<vmem>>, vector<1x128xf32>
    %add3A_23 = vector.broadcast %get3A_22 : vector<1x128xf32> to vector<1000x128xf32>
    %add3A_24 = arith.addf %mul3A_19, %add3A_23 : vector<1000x128xf32>
    %max3A = arith.constant 0.000000e+00 : f32
    %max3A_25 = vector.broadcast %max3A : f32 to vector<1000x128xf32>
    %max3A_26 = arith.maximumf %add3A_24, %max3A_25 : vector<1000x128xf32>
    %get3A_27 = arith.constant 0 : index
    %get3A_28 = arith.constant 0 : index
    %get3A_29 = vector.load %arg7[%get3A_27, %get3A_28] : memref<128x1xf32, #tpu.memory_space<vmem>>, vector<128x1xf32>
    %dot_general3A = arith.constant dense<0.000000e+00> : vector<1000x1xf32>
    %dot_general3A_30 = tpu.matmul %max3A_26, %get3A_29, %dot_general3A {dimension_numbers = #tpu.dot_dimension_numbers<[1], [0], [0], [1], [0, 0, 1, 1], [], []>, transpose_lhs_hint = false} : vector<1000x128xf32>, vector<128x1xf32>, vector<1000x1xf32> -> vector<1000x1xf32>
    %broadcast_in_dim3A_31 = vector.shape_cast %rsqrt3A : vector<1000xf32> to vector<1000x1xf32>
    %mul3A_32 = arith.mulf %dot_general3A_30, %broadcast_in_dim3A_31 : vector<1000x1xf32>
    %swap3A = arith.constant 0 : index
    %swap3A_33 = arith.constant 0 : index
    %swap3A_34 = vector.load %arg8[%swap3A, %swap3A_33] : memref<1000x1xf32, #tpu.memory_space<vmem>>, vector<1000x1xf32>
    tpu.vector_store %arg8[%swap3A, %swap3A_33], %mul3A_32 {strides = array<i32>} : memref<1000x1xf32, #tpu.memory_space<vmem>>, vector<1000x1xf32>,
    return
  }
  func.func @transform_0(%arg0: i32) -> (i32, i32) {
    %c0_i32 = arith.constant 0 : i32
    %c0_i32_0 = arith.constant 0 : i32
    return %arg0, %c0_i32 : i32, i32
  }
  func.func @transform_1(%arg0: i32) -> (i32, i32) {
    %c0_i32 = arith.constant 0 : i32
    %c0_i32_0 = arith.constant 0 : i32
    return %arg0, %c0_i32 : i32, i32
  }
  func.func @transform_2(%arg0: i32) -> (i32, i32) {
    %c0_i32 = arith.constant 0 : i32
    %c0_i32_0 = arith.constant 0 : i32
    return %arg0, %c0_i32 : i32, i32
  }
  func.func @transform_3(%arg0: i32) -> (i32, i32) {
    %c0_i32 = arith.constant 0 : i32
    %c0_i32_0 = arith.constant 0 : i32
    return %arg0, %c0_i32 : i32, i32
  }
  func.func @transform_4(%arg0: i32) -> (i32, i32) {
    %c0_i32 = arith.constant 0 : i32
    %c0_i32_0 = arith.constant 0 : i32
    return %arg0, %c0_i32 : i32, i32
  }
  func.func @transform_5(%arg0: i32) -> (i32, i32) {
    %c0_i32 = arith.constant 0 : i32
    %c0_i32_0 = arith.constant 0 : i32
    %c0_i32_1 = arith.constant 0 : i32
    return %c0_i32, %c0_i32_0 : i32, i32
  }
  func.func @transform_6(%arg0: i32) -> (i32, i32) {
    %c0_i32 = arith.constant 0 : i32
    %c0_i32_0 = arith.constant 0 : i32
    %c0_i32_1 = arith.constant 0 : i32
    return %c0_i32, %c0_i32_0 : i32, i32
  }
  func.func @transform_7(%arg0: i32) -> (i32, i32) {
    %c0_i32 = arith.constant 0 : i32
    %c0_i32_0 = arith.constant 0 : i32
    return %arg0, %c0_i32 : i32, i32
  }
}

module attributes {stable_mosaic.version = 14 : i64} {
  func.func @_final_body(%arg0: i32, %arg1: memref<1000x32xf32, #tpu.memory_space<vmem>>, %arg2: memref<1000x1xf32, #tpu.memory_space<vmem>>, %arg3: memref<1000x32xf32, #tpu.memory_space<vmem>>, %arg4: memref<1x1xf32, #tpu.memory_space<vmem>>, %arg5: memref<1000x1xf32, #tpu.memory_space<vmem>>) attributes {dimension_semantics = [#tpu.dimension_semantics<arbitrary>], iteration_bounds = array<i64: 10>, scalar_prefetch = 0 : i64, scratch_operands = 0 : i64, tpu.core_type = #tpu.core_type<tc>, window_params = [{transform_indices = @transform_0, window_bounds = array<i64: 1000, 32>}, {transform_indices = @transform_1, window_bounds = array<i64: 1000, 1>}, {transform_indices = @transform_2, window_bounds = array<i64: 1000, 32>}, {pipeline_mode = #tpu.pipeline_mode<synchronous>, transform_indices = @transform_3, window_bounds = array<i64: 1, 1>}, {transform_indices = @transform_4, window_bounds = array<i64: 1000, 1>}]} {
    %get3A = arith.constant 0 : index
    %get3A_0 = arith.constant 0 : index
    %get3A_1 = vector.load %arg3[%get3A, %get3A_0] : memref<1000x32xf32, #tpu.memory_space<vmem>>, vector<1000x32xf32>
    %reduce_sum3A = arith.constant dense<0.000000e+00> : vector<1000xf32>
    %reduce_sum3A_2 = vector.multi_reduction <add>, %get3A_1, %reduce_sum3A [1] : vector<1000x32xf32> to vector<1000xf32>
    %add3A = arith.constant 1.000000e+00 : f32
    %add3A_3 = vector.broadcast %add3A : f32 to vector<1000xf32>
    %add3A_4 = arith.addf %reduce_sum3A_2, %add3A_3 : vector<1000xf32>
    %rsqrt3A = math.rsqrt %add3A_4 : vector<1000xf32>
    %get3A_5 = arith.constant 0 : index
    %get3A_6 = arith.constant 0 : index
    %get3A_7 = vector.load %arg1[%get3A_5, %get3A_6] : memref<1000x32xf32, #tpu.memory_space<vmem>>, vector<1000x32xf32>
    %reduce_sum3A_8 = arith.constant dense<0.000000e+00> : vector<1000xf32>
    %reduce_sum3A_9 = vector.multi_reduction <add>, %get3A_7, %reduce_sum3A_8 [1] : vector<1000x32xf32> to vector<1000xf32>
    %get3A_10 = arith.constant 0 : index
    %get3A_11 = arith.constant 0 : index
    %get3A_12 = vector.load %arg2[%get3A_10, %get3A_11] : memref<1000x1xf32, #tpu.memory_space<vmem>>, vector<1000x1xf32>
    %get3A_13 = vector.shape_cast %get3A_12 : vector<1000x1xf32> to vector<1000xf32>
    %add3A_14 = arith.addf %reduce_sum3A_9, %get3A_13 : vector<1000xf32>
    %mul3A = arith.mulf %add3A_14, %rsqrt3A : vector<1000xf32>
    %get3A_15 = arith.constant 0 : index
    %get3A_16 = arith.constant 0 : index
    %get3A_17 = vector.load %arg4[%get3A_15, %get3A_16] : memref<1x1xf32, #tpu.memory_space<vmem>>, vector<1x1xf32>
    %get3A_18 = vector.extract %get3A_17[0, 0] : f32 from vector<1x1xf32>
    %add3A_19 = vector.broadcast %get3A_18 : f32 to vector<1000xf32>
    %add3A_20 = arith.addf %mul3A, %add3A_19 : vector<1000xf32>
    %neg3A = arith.constant 0.000000e+00 : f32
    %neg3A_21 = vector.broadcast %neg3A : f32 to vector<1000xf32>
    %neg3A_22 = arith.subf %neg3A_21, %add3A_20 : vector<1000xf32>
    %exp3A = math.exp %neg3A_22 : vector<1000xf32>
    %add3A_23 = arith.constant 1.000000e+00 : f32
    %add3A_24 = vector.broadcast %add3A_23 : f32 to vector<1000xf32>
    %add3A_25 = arith.addf %add3A_24, %exp3A : vector<1000xf32>
    %div3A = arith.constant 1.000000e+00 : f32
    %div3A_26 = vector.broadcast %div3A : f32 to vector<1000xf32>
    %div3A_27 = arith.divf %div3A_26, %add3A_25 : vector<1000xf32>
    %broadcast_in_dim3A = vector.shape_cast %div3A_27 : vector<1000xf32> to vector<1000x1xf32>
    %swap3A = arith.constant 0 : index
    %swap3A_28 = arith.constant 0 : index
    %swap3A_29 = vector.load %arg5[%swap3A, %swap3A_28] : memref<1000x1xf32, #tpu.memory_space<vmem>>, vector<1000x1xf32>
    tpu.vector_store %arg5[%swap3A, %swap3A_28], %broadcast_in_dim3A {strides = array<i32>} : memref<1000x1xf32, #tpu.memory_space<vmem>>, vector<1000x1xf32>,
    return
  }
  func.func @transform_0(%arg0: i32) -> (i32, i32) {
    %c0_i32 = arith.constant 0 : i32
    %c0_i32_0 = arith.constant 0 : i32
    return %arg0, %c0_i32 : i32, i32
  }
  func.func @transform_1(%arg0: i32) -> (i32, i32) {
    %c0_i32 = arith.constant 0 : i32
    %c0_i32_0 = arith.constant 0 : i32
    return %arg0, %c0_i32 : i32, i32
  }
  func.func @transform_2(%arg0: i32) -> (i32, i32) {
    %c0_i32 = arith.constant 0 : i32
    %c0_i32_0 = arith.constant 0 : i32
    return %arg0, %c0_i32 : i32, i32
  }
  func.func @transform_3(%arg0: i32) -> (i32, i32) {
    %c0_i32 = arith.constant 0 : i32
    %c0_i32_0 = arith.constant 0 : i32
    %c0_i32_1 = arith.constant 0 : i32
    return %c0_i32, %c0_i32_0 : i32, i32
  }
  func.func @transform_4(%arg0: i32) -> (i32, i32) {
    %c0_i32 = arith.constant 0 : i32
    %c0_i32_0 = arith.constant 0 : i32
    return %arg0, %c0_i32 : i32, i32
  }
}

</mosaic_0001>

<sc_bundles>
// kernel: kernel.11.cloned.1.call-start
scs
__scs_entry_jumppad:
0x0: {  	(pc) =	sbr.rel $0x88, $3  }
0x1: {  	(tag) =	ssettag $0x0;
	lr =	simm.s32 $0x1  }
0x2: {  	[smem:$0x3F9B] =	sst lr;
	_ =	strace $0xD0000000  }
0x3: {  	_ = 	snop  }
0x4: {  	_ = 	snop  }
0x5: {  	_ = 	snop  }
0x6: {  	_ = 	snop  }
0x7: {  	_ = 	snop  }
__scs_overlays_trampoline_lowered:
0x8: {  	[smem:$0x3FAA] =	sst s0  }
0x9: {  	[smem:$0x3FAB] =	sst s1  }
0xa: {  	[smem:$0x3FAC] =	sst s2  }
0xb: {  	[smem:$0x3FAD] =	sst s3  }
0xc: {  	[smem:$0x3FAE] =	sst s4  }
0xd: {  	[smem:$0x3FAF] =	sst s5  }
0xe: {  	[smem:$0x3FB0] =	sst s6  }
0xf: {  	[smem:$0x3FB1] =	sst s7  }
0x10: {  	[smem:$0x3FB2] =	sst s8  }
0x11: {  	[smem:$0x3FB3] =	sst s9;
	s0 =	simm.s32 @!p0 $0x0  }
0x12: {  	s1 =	sld [smem:$0x3F99];
	s0 =	simm.s32 @p0 $0x1  }
0x13: {  	[smem:$0x3FB4] =	sst s0;
	s0 =	simm.s32 @!p1 $0x0  }
0x14: {  	s2 =	sld [smem:$0x3F98];
	s0 =	simm.s32 @p1 $0x1  }
0x15: {  	[smem:$0x3FB5] =	sst s0;
	s0 =	simm.s32 @!p2 $0x0  }
0x16: {  	s3 =	sld [smem:$0x3FDB];
	s0 =	simm.s32 @p2 $0x1  }
0x17: {  	s4 =	simm.s32 $0x1BF5;
	[smem:$0x3FB7] =	sst s0  }
0x18: {  	s0 =	sld [smem:$0x3F9A];
	_ =	swait.ge [sflag:s4], $0x0  }
0x19: {  	s7 =	sld [smem:$0x3F9B]  }
0x1a: {  	s8 =	sadd.s32 $0xFFFFE003, lr  }
0x1b: {  	s9 =	sadd.s32 $0xFFFFFEF7, lr;
	s5 =	simm.s32 $0xFFFFFFFF;
	p2 =	slt.u32 s8, $0xFFFFF086  }
0x1c: {  	p1 =	slt.u32 s9, $0xF7A;
	s5 =	simm.s32 @!p2 $0x0  }
0x1d: {  	s5 =	simm.s32 @p1 $0x1;
	p0 =	seq.s32 s7, s2  }
0x1e: {  	s7 =	smul.u32 @!p0 $0xF7A, s2;
	p2 =	seq.s32 @!p0 s5, $0x0  }
0x1f: {  	s9 =	smul.u32 $0xF7A, s1;
	s8 =	simm.s32 @!p0 $0x1BF5;
	p2 =	por !p2, p0  }
0x20: {  	[sflag:s8] =	ssyncset.s32 @!p0 $0xFFFFF086;
	s6 =	sadd.s32 @!p0 s3, s7;
	s7 =	simm.s32 @!p0 $0x108  }
0x21: {  	s3 =	sadd.s32 s3, s9;
	s6 =	sadd.s32 @!p0 $0x88, s6;
	s7 =	simm.s32 @p2 $0x1082  }
0x22: {  	[simem:s7], [sflag:s8] =	dma.local @!p0 [hbm:s6], $0xF7A  }
0x23: {  	s9 =	sor.u32 $0xD0000000, s2;
	s6 =	simm.s32 $0x108;
	_ =	swait.ge @!p0 [sflag:s8], $0x0  }
0x24: {  	s3 =	sadd.s32 $0x88, s3;
	s6 =	simm.s32 @!p1 $0x1082;
	[sflag:s4] =	ssyncset.s32 $0xFFFFF086  }
0x25: {  	[simem:s6], [sflag:s4] =	dma.local [hbm:s3], $0xF7A  }
0x26: {  	[smem:$0x3F9B] =	sst s1;
	(tag) =	ssettag s2;
	_ =	strace s9  }
0x27: {  	s1 =	sld [smem:$0x3FAB]  }
0x28: {  	s2 =	sld [smem:$0x3FAC]  }
0x29: {  	s4 =	sld [smem:$0x3FAE]  }
0x2a: {  	p0 =	seq.s32 s5, $0x0;
	s5 =	sld [smem:$0x3FAF]  }
0x2b: {  	s6 =	sld [smem:$0x3FB0]  }
0x2c: {  	s7 =	sld [smem:$0x3FB1]  }
0x2d: {  	s3 =	simm.s32 $0x108;
	s8 =	sld [smem:$0x3FB2]  }
0x2e: {  	s3 =	simm.s32 @!p0 $0x1082;
	s9 =	sld [smem:$0x3FB3]  }
0x2f: {  	lr =	sadd.s32 s0, s3;
	s0 =	sld [smem:$0x3FAA]  }
0x30: {  	s3 =	sld [smem:$0x3FAD]  }
0x31: {  	[smem:$0x3FB6] =	sst s10  }
0x32: {  	s10 =	sld [smem:$0x3FB4];
	_ =	sdelay $0x3  }
0x33: {  	p0 =	seq.s32 s10, $0x1;
	s10 =	sld [smem:$0x3FB6];
	_ =	sdelay $0x3  }
0x34: {  	[smem:$0x3FB6] =	sst s10  }
0x35: {  	s10 =	sld [smem:$0x3FB5];
	_ =	sdelay $0x3  }
0x36: {  	p1 =	seq.s32 s10, $0x1;
	s10 =	sld [smem:$0x3FB6];
	_ =	sdelay $0x3  }
0x37: {  	[smem:$0x3FB6] =	sst s10  }
0x38: {  	s10 =	sld [smem:$0x3FB7]  }
0x39: {  	_ = 	snop;
	(pc) =	sbr.ind lr, $3  }
0x3a: {  	_ = 	snop  }
0x3b: {  	_ = 	snop  }
0x3c: {  	p2 =	seq.s32 s10, $0x1;
	s10 =	sld [smem:$0x3FB6]  }
0x3d: {  	_ =	shalt  }
0x3e: {  	_ =	shalt  }
0x3f: {  	_ =	shalt  }
0x40: {  	_ =	shalt  }
0x41: {  	_ =	shalt  }
0x42: {  	_ =	shalt  }
0x43: {  	_ =	shalt  }
0x44: {  	_ =	shalt  }
0x45: {  	_ =	shalt  }
0x46: {  	_ =	shalt  }
0x47: {  	_ =	shalt  }
0x48: {  	_ =	shalt  }
0x49: {  	_ =	shalt  }
0x4a: {  	_ =	shalt  }
0x4b: {  	_ =	shalt  }
0x4c: {  	_ =	shalt  }
0x4d: {  	_ =	shalt  }
0x4e: {  	_ =	shalt  }
0x4f: {  	_ =	shalt  }
0x50: {  	_ =	shalt  }
0x51: {  	_ =	shalt  }
0x52: {  	_ =	shalt  }
0x53: {  	_ =	shalt  }
0x54: {  	_ =	shalt  }
0x55: {  	_ =	shalt  }
0x56: {  	_ =	shalt  }
0x57: {  	_ =	shalt  }
0x58: {  	_ =	shalt  }
0x59: {  	_ =	shalt  }
0x5a: {  	_ =	shalt  }
0x5b: {  	_ =	shalt  }
0x5c: {  	_ =	shalt  }
0x5d: {  	_ =	shalt  }
0x5e: {  	_ =	shalt  }
0x5f: {  	_ =	shalt  }
0x60: {  	_ =	shalt  }
0x61: {  	_ =	shalt  }
0x62: {  	_ =	shalt  }
0x63: {  	_ =	shalt  }
0x64: {  	_ =	shalt  }
0x65: {  	_ =	shalt  }
0x66: {  	_ =	shalt  }
0x67: {  	_ =	shalt  }
0x68: {  	_ =	shalt  }
0x69: {  	_ =	shalt  }
0x6a: {  	_ =	shalt  }
0x6b: {  	_ =	shalt  }
0x6c: {  	_ =	shalt  }
0x6d: {  	_ =	shalt  }
0x6e: {  	_ =	shalt  }
0x6f: {  	_ =	shalt  }
0x70: {  	_ =	shalt  }
0x71: {  	_ =	shalt  }
0x72: {  	_ =	shalt  }
0x73: {  	_ =	shalt  }
0x74: {  	_ =	shalt  }
0x75: {  	_ =	shalt  }
0x76: {  	_ =	shalt  }
0x77: {  	_ =	shalt  }
0x78: {  	_ =	shalt  }
0x79: {  	_ =	shalt  }
0x7a: {  	_ =	shalt  }
0x7b: {  	_ =	shalt  }
0x7c: {  	_ =	shalt  }
0x7d: {  	_ =	shalt  }
0x7e: {  	_ =	shalt  }
0x7f: {  	_ =	shalt  }
0x80: {  	_ =	shalt  }
0x81: {  	_ =	shalt  }
0x82: {  	_ =	shalt  }
0x83: {  	_ =	shalt  }
0x84: {  	_ =	shalt  }
0x85: {  	_ =	shalt  }
0x86: {  	_ =	shalt  }
0x87: {  	_ =	shalt  }
.Lfunc_end0:
.L_simem_size_0:
called_computation.1_lowered:
.L_overlay_start_0:
0x88: {  	s2 =	sld [smem:$0x3FD9]  }
0x89: {  	s3 =	sld [smem:$0x3FFE];
	_ =	sdelay $0x1  }
0x8a: {  	s1 =	srdreg.scid  }
0x8b: {  	s0 =	sand.u32 $0x1, s1  }
0x8c: {  	s16 =	sshll.u32 s0, $0xA;
	s2 =	sadd.s32 s3, s2  }
0x8d: {  	s2 =	sadd.s32 s2, s16  }
0x8e: {  	[smem:$0x3FC2] =	sst s2  }
0x8f: {  	_ = 	snop  }
0x90: {  	(tm) =	ssettm $0x1  }
0x91: {  	s17 =	sld [smem:$0x3FFB];
	_ =	sdelay $0x3  }
0x92: {  	_ =	strace s17  }
0x93: {  	s2 =	sld [smem:$0x3FFC];
	_ =	sdelay $0x3  }
0x94: {  	_ =	strace s2  }
0x95: {  	s2 =	sld [smem:$0x3FFD];
	_ =	sdelay $0x3  }
0x96: {  	_ =	strace s2  }
0x97: {  	_ =	strace $0x8FFFFFFF  }
0x98: {  	s18 =	sld [smem:$0x3FDB];
	_ =	sdelay $0x1  }
0x99: {  	s19 =	simm.s32 $_scs_section_size  }
0x9a: {  	s4 =	simm.s32 $_size__tile_overlayer_lowered;
	s5 =	simm.s32 $_tile_overlayer_lowered  }
0x9b: {  	s22 =	simm.s32 $0x1BFF;
	s21 =	sshll.u32 s5, $0x1;
	s2 =	sadd.s32 s19, s18  }
0x9c: {  	s6 =	simm.s32 $0x0;
	s20 =	sshll.u32 s4, $0x1;
	s4 =	sadd.s32 s21, s2  }
0x9d: {  	[timem:s6], [sflag:s22] =	dma.local [hbm:s4], s20  }
0x9e: {  	_ =	swait.ge [sflag:s22], s20  }
0x9f: {  	s3 =	ssub.s32 $0x0, s20;
	[sflag:s22] =	ssyncset.done $0x0  }
0xa0: {  	[sflag:s22] =	ssyncadd.s32 s3;
	_ =	sdelay $0x1  }
0xa1: {  	s23 =	simm.s32 $0x1B8B  }
0xa2: {  	_ =	swait.ge [sflag:s23], $0x1  }
0xa3: {  	[sflag:s23] =	ssyncset.done $0x0  }
0xa4: {  	s25 =	simm.s32 $0x1B8E;
	s24 =	sld [smem:$0x3FFE];
	[sflag:s23] =	ssyncadd.s32 $0xFFFFFFFF  }
0xa5: {  	s26 =	simm.s32 $execute0_lowered;
	[smem:$0x3FD2] =	sst s25  }
0xa6: {  	s4 =	sshll.u32 s26, $0x1;
	_ =	strace $0x80000049;
	[dreg:$0x1] =	wrdreg $0xFFFFFFFF  }
0xa7: {  	s28 =	simm.s32 $_size_execute0_lowered;
	s2 =	sadd.s32 s2, s4;
	[dreg:$0x0] =	wrdreg $0x0  }
0xa8: {  	s4 =	sshll.u32 s28, $0x1;
	[dreg:$0x2] =	wrdreg s2  }
0xa9: {  	[dreg:$0x3] =	wrdreg s4  }
0xaa: {  	[dreg:$0x4] =	wrdreg $0xC0  }
0xab: {  	_ =	task [dreg:s6], $0x5FFFF  }
0xac: {  	[dreg:$0x1] =	wrdreg $0xFFFFFFFF  }
0xad: {  	[dreg:$0x0] =	wrdreg $0x60  }
0xae: {  	[dreg:$0x2] =	wrdreg s24  }
0xaf: {  	[dreg:$0x3] =	wrdreg $0x120000  }
0xb0: {  	[dreg:$0x4] =	wrdreg $0x9  }
0xb1: {  	_ =	task.clear_ibuf [dreg:s6], $0x5FFFF;
	_ =	strace $0x90000049  }
0xb2: {  	s29 =	simm.s32 $0x9;
	_ =	strace $0x8000004B  }
0xb3: {  	_ =	swait.ge [sflag:s29], $0x1  }
0xb4: {  	[sflag:s29] =	ssyncadd.s32 $0xFFFFFFFF  }
0xb5: {  	_ =	strace $0x9000004B  }
0xb6: {  	_ =	sfence  }
0xb7: {  	s30 =	sld [smem:$0x0];
	_ =	sdelay $0x2  }
0xb8: {  	s31 =	sshll.u32 s1, $0xD;
	s1 =	sshrl.u32 s1, $0x2  }
0xb9: {  	s3 =	sand.u32 $0x4000, s31;
	s1 =	sadd.s32 s1, s30  }
0xba: {  	s0 =	sor.u32 s3, s0;
	s1 =	sshll.u32 s1, $0x11  }
0xbb: {  	s0 =	sor.u32 s1, s0  }
0xbc: {  	s0 =	sadd.s32 $0x8F2B, s0  }
0xbd: {  	[sflag:s0] =	ssyncadd.remote.s32 $0x1  }
0xbe: {  	_ =	sfence.sel $0xFFFF  }
0xbf: {  	[dreg:$0x0] =	wrdreg $0xFFFFFFFF;
	(pc) =	sbr.abs _section_cstart, $3  }
0xc0: {  	[dreg:$0x1] =	wrdreg $0xFFFFFFFF  }
0xc1: {  	_ =	task.clear_ibuf [dreg:s6], $0x2FFFF;
	_ =	strace $0x9FFFFFFF  }
0xc2: {  	(tm) =	ssettm $0x7FFFFFFF  }
0xc3: {  	_ =	shalt  }
tec
execute0_lowered:
.L_overlay_start_1:
0x0: {  	(tag) =	ssettag $0x1  }
0x1: {  	s0 =	rddreg [dreg:$0x0]  }
0x2: {  	s2 =	rddreg [dreg:$0x1];
	s3 =	simm.s32 $0x0;
	s10 =	stileid.u32  }
0x3: {  	s5 =	srdreg.scid;
	s17 =	simm.s32 $0x5;
	s19 =	simm.s32 $0xA000  }
0x4: {  	s20 =	simm.s32 $0x80;
	s23 =	simm.s32 $0xE000;
	s24 =	simm.s32 $0x180  }
0x5: {  	s28 =	simm.s32 $0x3;
	s29 =	simm.s32 $0x4;
	s30 =	simm.s32 $0x0  }
0x6: {  	[smem:$0x7FF] =	sst s3;
	s1 =	smul.u32 $0xA00, s10;
	s4 =	sadd.s32 $0x84000, s0  }
0x7: {  	s5 =	sand.u32 $0x1, s5;
	s6 =	sadd.s32 $0x70000, s0;
	s8 =	smul.u32 $0x28000, s10  }
0x8: {  	s16 =	sadd.s32 $0xAC000, s0;
	s15 =	smul.u32 $0xA000, s10;
	_ =	strace $0x8000004A  }
0x9: {  	s7 =	ssub.s32 $0x2, s5;
	p0 =	seq.s32 s5, $0x0;
	s1 =	sadd.s32 s1, s0  }
0xa: {  	s0 =	sadd.s32 $0x98000, s0;
	s9 =	sshrl.u32 s7, $0x1;
	s25 =	sshrl.u32 s8, $0x2  }
0xb: {  	s31 =	sshrl.u32 s15, $0x3;
	s14 =	ssub.s32 s7, s9;
	s7 =	sadd.s32 $0x16000, s1  }
.Ltmp0:
0xc: {  	s8 =	sadd.s32 $0x2000, s1;
	s26 =	sadd.s32 s25, s2;
	(pc) =	sbr.rel .LBB2_1-.Ltmp0, $4  }
0xd: {  	s9 =	sadd.s32 s15, s2;
	s15 =	smov.u32 s6;
	s0 =	smov.u32 @p0 s16  }
0xe: {  	s25 =	simm.s32 $0x10000;
	s10 =	sadd.s32 $0x2000, s26;
	s11 =	sadd.s32 $0x4000, s26  }
0xf: {  	s12 =	sadd.s32 $0x6000, s26;
	s13 =	sadd.s32 $0x8000, s26;
	s14 =	smax.u32 s14, $0x1  }
0x10: {  	v0 =	vimm.f32 $0.0e+00;
	s15 =	smov.u32 @p0 s4;
	s16 =	sadd.s32 s0, s31;
	s26 =	simm.s32 $0x1  }
.LBB2_6:
0x11: {  	_ =	swait.ge [sflag:s29], $0x2000  }
0x12: {  	[sflag:s29] =	ssyncset.done $0x0  }
0x13: {  	[sflag:s29] =	ssyncadd.s32 $0xFFFFE000  }
0x14: {  	[spmem:s2] =	stream.indirect.scatter.add.f32 [tilespmem:s25], [sflag:$0x5], $0x40, s1, s20, $0xb8;
	[tilespmem:$0x1C000] =	vst v63  }
0x15: {  	s0 =	stileid.u32;
	_ =	swait.ge [sflag:s17], $0x2000  }
0x16: {  	s31 =	sshrl.u32 s9, $0x3;
	s30 =	sadd.s32 $0x1, s30;
	[sflag:s17] =	ssyncset.done $0x0  }
0x17: {  	s0 =	sshll.u32 s0, $0x6;
	p0 =	sne.s32 s30, s14;
	[sflag:s17] =	ssyncadd.s32 $0xFFFFE000  }
.Ltmp1:
0x18: {  	s0 =	sor.u32 $0x1C05, s0;
	[bflag:$0x0] =	sbarrier.arrive $0xFFFF;
	(pc) =	sbr.rel @!p0 .LBB2_7-.Ltmp1, $4  }
0x19: {  	[hbm:s16], [sflag:s0] =	dma.local [spmem:s31], $0x1400  }
0x1a: {  	_ =	swait.ge [sflag:s17], $0x1400  }
0x1b: {  	[sflag:s17] =	ssyncset.done $0x0  }
0x1c: {  	[sflag:s17] =	ssyncadd.s32 $0xFFFFEC00  }
.LBB2_1:
0x1d: {  	[tilespmem:s3], [sflag:$0x5] =	stream.linear.gather [hbm4b:s7+s3], $0x5000, $0x38;
	[tilespmem:$0x1C000] =	vst v63  }
0x1e: {  	_ =	swait.ge [sflag:s17], $0x5000  }
0x1f: {  	[sflag:s17] =	ssyncset.done $0x0  }
0x20: {  	s0 =	simm.s32 $0x5000;
	s22 =	sand.u32 $0x7F00, s3;
	[sflag:s17] =	ssyncadd.s32 $0xFFFFB000  }
0x21: {  	[tilespmem:s0], [sflag:$0x5] =	stream.linear.gather [hbm4b:s8+s3], $0x5000, $0x38;
	[tilespmem:$0x1C000] =	vst v63  }
0x22: {  	s1 =	sand.u32 $0x30, s3;
	s31 =	sshrl.u32 s22, $0x2;
	_ =	swait.ge [sflag:s17], $0x5000  }
0x23: {  	s1 =	sor.u32 s1, s31;
	[sflag:s17] =	ssyncset.done $0x0  }
0x24: {  	s31 =	simm.s32 $0x0;
	s0 =	simm.s32 $0x40;
	[sflag:s17] =	ssyncadd.s32 $0xFFFFB000  }
.LBB2_2:
0x25: {  	p0 =	sne.s32 s0, $0x7FC0  }
0x26: {  	[tilespmem:s1+$0xA000] =	vst v0;
	s31 =	sadd.s32 $0x10, s31;
	s1 =	smov.u32 s0;
	s0 =	sadd.s32 $0x40, s0  }
.Ltmp2:
0x27: {  	(pc) =	sbr.rel @p0 .LBB2_2-.Ltmp2, $4  }
0x28: {  	_ = 	snop  }
0x29: {  	s1 =	sand.u32 $0x7F00, s1  }
0x2a: {  	s18 =	sand.u32 $0x30, s31;
	s1 =	sshrl.u32 s1, $0x2  }
0x2b: {  	s1 =	sor.u32 s18, s1  }
0x2c: {  	[tilespmem:s1+$0xA000] =	vst v0  }
0x2d: {  	[spmem:s9] =	stream.linear.scatter [tilespmem:s19], [sflag:$0x5], $0x2000, $0x38;
	[tilespmem:$0x1C000] =	vst v63  }
0x2e: {  	_ =	swait.ge [sflag:s17], $0x2000  }
0x2f: {  	[sflag:s17] =	ssyncset.done $0x0  }
0x30: {  	[sflag:s17] =	ssyncadd.s32 $0xFFFFE000  }
0x31: {  	[spmem:s10] =	stream.linear.scatter [tilespmem:s19], [sflag:$0x5], $0x2000, $0x38;
	[tilespmem:$0x1C000] =	vst v63  }
0x32: {  	_ =	swait.ge [sflag:s17], $0x2000  }
0x33: {  	[sflag:s17] =	ssyncset.done $0x0  }
0x34: {  	[sflag:s17] =	ssyncadd.s32 $0xFFFFE000  }
0x35: {  	[spmem:s11] =	stream.linear.scatter [tilespmem:s19], [sflag:$0x5], $0x2000, $0x38;
	[tilespmem:$0x1C000] =	vst v63  }
0x36: {  	_ =	swait.ge [sflag:s17], $0x2000  }
0x37: {  	[sflag:s17] =	ssyncset.done $0x0  }
0x38: {  	[sflag:s17] =	ssyncadd.s32 $0xFFFFE000  }
0x39: {  	[spmem:s12] =	stream.linear.scatter [tilespmem:s19], [sflag:$0x5], $0x2000, $0x38;
	[tilespmem:$0x1C000] =	vst v63  }
0x3a: {  	_ =	swait.ge [sflag:s17], $0x2000  }
0x3b: {  	[sflag:s17] =	ssyncset.done $0x0  }
0x3c: {  	[sflag:s17] =	ssyncadd.s32 $0xFFFFE000  }
0x3d: {  	[spmem:s13] =	stream.linear.scatter [tilespmem:s19], [sflag:$0x5], $0x2000, $0x38;
	[tilespmem:$0x1C000] =	vst v63  }
0x3e: {  	_ =	swait.ge [sflag:s17], $0x2000  }
0x3f: {  	[sflag:s17] =	ssyncset.done $0x0  }
0x40: {  	[sflag:s17] =	ssyncadd.s32 $0xFFFFE000  }
0x41: {  	s31 =	simm.s32 $0x0;
	[bflag:$0x0] =	sbarrier.arrive $0xFFFF  }
0x42: {  	[tilespmem:s19], [sflag:$0x1] =	stream.indirect.gather [hbm4b:s15+s20], $0x40, s31, s20, $0xb8;
	[tilespmem:$0x1C000] =	vst v63  }
0x43: {  	s0 =	simm.s32 $0xC000  }
0x44: {  	[tilespmem:s0], [sflag:$0x2] =	stream.indirect.gather [hbm4b:s15+s20], $0x40, s20, s20, $0xb8;
	[tilespmem:$0x1C000] =	vst v63  }
0x45: {  	s22 =	simm.s32 $0x100  }
0x46: {  	[tilespmem:s23], [sflag:$0x3] =	stream.indirect.gather [hbm4b:s15+s20], $0x40, s22, s20, $0xb8;
	[tilespmem:$0x1C000] =	vst v63  }
0x47: {  	_ = 	snop  }
0x48: {  	[tilespmem:s25], [sflag:$0x4] =	stream.indirect.gather [hbm4b:s15+s20], $0x40, s24, s20, $0xb8;
	[tilespmem:$0x1C000] =	vst v63  }
.LBB2_4:
0x49: {  	_ =	swait.ge [sflag:s26], $0x2000  }
0x4a: {  	s0 =	sshra.s32 s31, $0x2;
	[sflag:s26] =	ssyncset.done $0x0  }
0x4b: {  	s1 =	sadd.s32 $0x5000, s0;
	[sflag:s26] =	ssyncadd.s32 $0xFFFFE000  }
0x4c: {  	[spmem:s2] =	stream.indirect.scatter.add.f32 [tilespmem:s19], [sflag:$0x5], $0x40, s1, s20, $0xb8;
	[tilespmem:$0x1C000] =	vst v63  }
0x4d: {  	_ =	swait.ge [sflag:s17], $0x2000  }
0x4e: {  	p0 =	seq.s32 s31, $0x13800;
	[sflag:s17] =	ssyncset.done $0x0  }
0x4f: {  	s1 =	simm.s32 @p0 $0x2;
	[sflag:s17] =	ssyncadd.s32 $0xFFFFE000  }
0x50: {  	_ =	swait.ge @p0 [sflag:s1], $0x2000  }
0x51: {  	[sflag:s1] =	ssyncset.done @p0 $0x0  }
0x52: {  	[sflag:s1] =	ssyncadd.s32 @p0 $0xFFFFE000;
	s1 =	sshra.s32 @p0 s31, $0x2  }
0x53: {  	s18 =	simm.s32 @p0 $0x80;
	s21 =	simm.s32 @p0 $0xC000;
	s1 =	sadd.s32 @p0 $0x5080, s1  }
0x54: {  	[spmem:s2] =	stream.indirect.scatter.add.f32 @p0 [tilespmem:s21], [sflag:$0x5], $0x40, s1, s18, $0xb8;
	[tilespmem:$0x1C000] =	vst v63  }
0x55: {  	s1 =	simm.s32 @p0 $0x5  }
0x56: {  	_ =	swait.ge @p0 [sflag:s1], $0x2000  }
0x57: {  	[sflag:s1] =	ssyncset.done @p0 $0x0  }
0x58: {  	[sflag:s1] =	ssyncadd.s32 @p0 $0xFFFFE000;
	s1 =	sshra.s32 @!p0 s31, $0x2  }
0x59: {  	s22 =	simm.s32 @!p0 $0xA000;
	s21 =	simm.s32 @!p0 $0x80;
	s18 =	sadd.s32 @!p0 $0x200, s1  }
0x5a: {  	[tilespmem:s22], [sflag:$0x1] =	stream.indirect.gather @!p0 [hbm4b:s15+s21], $0x40, s18, s21, $0xb8;
	[tilespmem:$0x1C000] =	vst v63  }
0x5b: {  	s18 =	simm.s32 @!p0 $0x2  }
0x5c: {  	_ =	swait.ge @!p0 [sflag:s18], $0x2000  }
0x5d: {  	[sflag:s18] =	ssyncset.done @!p0 $0x0  }
0x5e: {  	s22 =	simm.s32 @!p0 $0xC000;
	[sflag:s18] =	ssyncadd.s32 @!p0 $0xFFFFE000;
	s18 =	sadd.s32 @!p0 $0x5080, s1  }
0x5f: {  	[spmem:s2] =	stream.indirect.scatter.add.f32 @!p0 [tilespmem:s22], [sflag:$0x5], $0x40, s18, s21, $0xb8;
	[tilespmem:$0x1C000] =	vst v63  }
0x60: {  	p1 =	sne.s32 @!p0 s5, $0x0;
	s18 =	simm.s32 @!p0 $0x5  }
0x61: {  	p2 =	por !p1, p0;
	_ =	swait.ge @!p0 [sflag:s18], $0x2000  }
0x62: {  	p1 =	por p1, p0;
	s1 =	sadd.s32 @!p0 $0x280, s1;
	[sflag:s18] =	ssyncset.done @!p0 $0x0  }
0x63: {  	s21 =	simm.s32 @!p2 $0xC000;
	[sflag:s18] =	ssyncadd.s32 @!p0 $0xFFFFE000;
	s18 =	simm.s32 @!p2 $0x80  }
0x64: {  	[tilespmem:s21], [sflag:$0x2] =	stream.indirect.gather @!p2 [hbm4b:s6+s18], $0x40, s1, s18, $0xb8;
	[tilespmem:$0x1C000] =	vst v63  }
0x65: {  	s18 =	simm.s32 @!p1 $0x80;
	s21 =	simm.s32 @!p1 $0xC000  }
0x66: {  	[tilespmem:s21], [sflag:$0x2] =	stream.indirect.gather @!p1 [hbm4b:s4+s18], $0x40, s1, s18, $0xb8;
	[tilespmem:$0x1C000] =	vst v63  }
0x67: {  	_ =	swait.ge [sflag:s28], $0x2000  }
0x68: {  	[sflag:s28] =	ssyncset.done $0x0  }
.Ltmp3:
0x69: {  	s22 =	sadd.s32 $0x5100, s0;
	[sflag:s28] =	ssyncadd.s32 $0xFFFFE000;
	(pc) =	sbr.rel @p0 .LBB2_6-.Ltmp3, $4  }
0x6a: {  	[spmem:s2] =	stream.indirect.scatter.add.f32 [tilespmem:s23], [sflag:$0x5], $0x40, s22, s20, $0xb8;
	[tilespmem:$0x1C000] =	vst v63  }
0x6b: {  	_ =	swait.ge [sflag:s17], $0x2000  }
0x6c: {  	[sflag:s17] =	ssyncset.done $0x0  }
0x6d: {  	s1 =	sadd.s32 $0x5180, s0;
	[sflag:s17] =	ssyncadd.s32 $0xFFFFE000  }
0x6e: {  	s18 =	sadd.s32 $0x300, s0  }
0x6f: {  	[tilespmem:s23], [sflag:$0x3] =	stream.indirect.gather [hbm4b:s15+s20], $0x40, s18, s20, $0xb8;
	[tilespmem:$0x1C000] =	vst v63  }
0x70: {  	_ =	swait.ge [sflag:s29], $0x2000  }
0x71: {  	[sflag:s29] =	ssyncset.done $0x0  }
0x72: {  	[sflag:s29] =	ssyncadd.s32 $0xFFFFE000  }
0x73: {  	[spmem:s2] =	stream.indirect.scatter.add.f32 [tilespmem:s25], [sflag:$0x5], $0x40, s1, s20, $0xb8;
	[tilespmem:$0x1C000] =	vst v63  }
.Ltmp4:
0x74: {  	_ = 	snop;
	(pc) =	sbr.rel .LBB2_4-.Ltmp4, $4  }
0x75: {  	_ =	swait.ge [sflag:s17], $0x2000  }
0x76: {  	[sflag:s17] =	ssyncset.done $0x0  }
0x77: {  	s22 =	sadd.s32 $0x380, s0;
	s31 =	sadd.s32 $0x800, s31;
	[sflag:s17] =	ssyncadd.s32 $0xFFFFE000  }
0x78: {  	[tilespmem:s25], [sflag:$0x4] =	stream.indirect.gather [hbm4b:s15+s20], $0x40, s22, s20, $0xb8;
	[tilespmem:$0x1C000] =	vst v63  }
.LBB2_7:
0x79: {  	_ =	sfence.sel $0x180000  }
0x7a: {  	[bflag:$0x0] =	sbarrier.arrive $0xFFFF  }
0x7b: {  	_ =	strace $0x9000004A  }
0x7c: {  	s0 =	stileid.u32;
	[bflag:$0x2] =	sbarrier.arrive $0xFFFF  }
0x7d: {  	p0 =	sne.s32 s0, $0x0;
	s0 =	rddreg [dreg:$0x2]  }
0x7e: {  	s0 =	sadd.s32 @!p0 $0x100000, s0  }
0x7f: {  	[sflag:s0] =	ssyncadd.tile.s32 @!p0 $0x1;
	_ =	shalt  }
.Lfunc_end2:
_tile_overlayer_lowered:
.L_overlay_start_2:
0x80: {  	(tag) =	ssettag $0x2  }
0x81: {  	s0 =	rddreg [dreg:$0x0];
	s2 =	stileid.u32  }
0x82: {  	s1 =	rddreg [dreg:$0x1];
	p0 =	sne.s32 s2, $0x0  }
0x83: {  	s3 =	rddreg [dreg:$0x2];
	[bflag:$0x3] =	sbarrier.arrive $0xFFFF;
	s2 =	simm.s32 @!p0 $0x1C05  }
0x84: {  	[timem:s3], [sflag:s2] =	dma.local @!p0 [hbm:s0], s1  }
0x85: {  	s0 =	simm.s32 @!p0 $0x5  }
0x86: {  	_ =	swait.ge @!p0 [sflag:s0], s1  }
0x87: {  	s1 =	ssub.s32 @!p0 $0x0, s1;
	[sflag:s0] =	ssyncset.done @!p0 $0x0  }
0x88: {  	[sflag:s0] =	ssyncadd.s32 @!p0 s1  }
0x89: {  	[bflag:$0x3] =	sbarrier.arrive $0xFFFF  }
0x8a: {  	_ =	shalt  }

// kernel: kernel.14.cloned.1.call-start
scs
__scs_entry_jumppad:
0x0: {  	(pc) =	sbr.rel $0x88, $3  }
0x1: {  	(tag) =	ssettag $0x0;
	lr =	simm.s32 $0x1  }
0x2: {  	[smem:$0x3F9B] =	sst lr;
	_ =	strace $0xD0000000  }
0x3: {  	_ = 	snop  }
0x4: {  	_ = 	snop  }
0x5: {  	_ = 	snop  }
0x6: {  	_ = 	snop  }
0x7: {  	_ = 	snop  }
__scs_overlays_trampoline_lowered:
0x8: {  	[smem:$0x3FAA] =	sst s0  }
0x9: {  	[smem:$0x3FAB] =	sst s1  }
0xa: {  	[smem:$0x3FAC] =	sst s2  }
0xb: {  	[smem:$0x3FAD] =	sst s3  }
0xc: {  	[smem:$0x3FAE] =	sst s4  }
0xd: {  	[smem:$0x3FAF] =	sst s5  }
0xe: {  	[smem:$0x3FB0] =	sst s6  }
0xf: {  	[smem:$0x3FB1] =	sst s7  }
0x10: {  	[smem:$0x3FB2] =	sst s8  }
0x11: {  	[smem:$0x3FB3] =	sst s9;
	s0 =	simm.s32 @!p0 $0x0  }
0x12: {  	s1 =	sld [smem:$0x3F99];
	s0 =	simm.s32 @p0 $0x1  }
0x13: {  	[smem:$0x3FB4] =	sst s0;
	s0 =	simm.s32 @!p1 $0x0  }
0x14: {  	s2 =	sld [smem:$0x3F98];
	s0 =	simm.s32 @p1 $0x1  }
0x15: {  	[smem:$0x3FB5] =	sst s0;
	s0 =	simm.s32 @!p2 $0x0  }
0x16: {  	s3 =	sld [smem:$0x3FDB];
	s0 =	simm.s32 @p2 $0x1  }
0x17: {  	s4 =	simm.s32 $0x1BF5;
	[smem:$0x3FB7] =	sst s0  }
0x18: {  	s0 =	sld [smem:$0x3F9A];
	_ =	swait.ge [sflag:s4], $0x0  }
0x19: {  	s7 =	sld [smem:$0x3F9B]  }
0x1a: {  	s8 =	sadd.s32 $0xFFFFE003, lr  }
0x1b: {  	s9 =	sadd.s32 $0xFFFFFEF7, lr;
	s5 =	simm.s32 $0xFFFFFFFF;
	p2 =	slt.u32 s8, $0xFFFFF086  }
0x1c: {  	p1 =	slt.u32 s9, $0xF7A;
	s5 =	simm.s32 @!p2 $0x0  }
0x1d: {  	s5 =	simm.s32 @p1 $0x1;
	p0 =	seq.s32 s7, s2  }
0x1e: {  	s7 =	smul.u32 @!p0 $0xF7A, s2;
	p2 =	seq.s32 @!p0 s5, $0x0  }
0x1f: {  	s9 =	smul.u32 $0xF7A, s1;
	s8 =	simm.s32 @!p0 $0x1BF5;
	p2 =	por !p2, p0  }
0x20: {  	[sflag:s8] =	ssyncset.s32 @!p0 $0xFFFFF086;
	s6 =	sadd.s32 @!p0 s3, s7;
	s7 =	simm.s32 @!p0 $0x108  }
0x21: {  	s3 =	sadd.s32 s3, s9;
	s6 =	sadd.s32 @!p0 $0x88, s6;
	s7 =	simm.s32 @p2 $0x1082  }
0x22: {  	[simem:s7], [sflag:s8] =	dma.local @!p0 [hbm:s6], $0xF7A  }
0x23: {  	s9 =	sor.u32 $0xD0000000, s2;
	s6 =	simm.s32 $0x108;
	_ =	swait.ge @!p0 [sflag:s8], $0x0  }
0x24: {  	s3 =	sadd.s32 $0x88, s3;
	s6 =	simm.s32 @!p1 $0x1082;
	[sflag:s4] =	ssyncset.s32 $0xFFFFF086  }
0x25: {  	[simem:s6], [sflag:s4] =	dma.local [hbm:s3], $0xF7A  }
0x26: {  	[smem:$0x3F9B] =	sst s1;
	(tag) =	ssettag s2;
	_ =	strace s9  }
0x27: {  	s1 =	sld [smem:$0x3FAB]  }
0x28: {  	s2 =	sld [smem:$0x3FAC]  }
0x29: {  	s4 =	sld [smem:$0x3FAE]  }
0x2a: {  	p0 =	seq.s32 s5, $0x0;
	s5 =	sld [smem:$0x3FAF]  }
0x2b: {  	s6 =	sld [smem:$0x3FB0]  }
0x2c: {  	s7 =	sld [smem:$0x3FB1]  }
0x2d: {  	s3 =	simm.s32 $0x108;
	s8 =	sld [smem:$0x3FB2]  }
0x2e: {  	s3 =	simm.s32 @!p0 $0x1082;
	s9 =	sld [smem:$0x3FB3]  }
0x2f: {  	lr =	sadd.s32 s0, s3;
	s0 =	sld [smem:$0x3FAA]  }
0x30: {  	s3 =	sld [smem:$0x3FAD]  }
0x31: {  	[smem:$0x3FB6] =	sst s10  }
0x32: {  	s10 =	sld [smem:$0x3FB4];
	_ =	sdelay $0x3  }
0x33: {  	p0 =	seq.s32 s10, $0x1;
	s10 =	sld [smem:$0x3FB6];
	_ =	sdelay $0x3  }
0x34: {  	[smem:$0x3FB6] =	sst s10  }
0x35: {  	s10 =	sld [smem:$0x3FB5];
	_ =	sdelay $0x3  }
0x36: {  	p1 =	seq.s32 s10, $0x1;
	s10 =	sld [smem:$0x3FB6];
	_ =	sdelay $0x3  }
0x37: {  	[smem:$0x3FB6] =	sst s10  }
0x38: {  	s10 =	sld [smem:$0x3FB7]  }
0x39: {  	_ = 	snop;
	(pc) =	sbr.ind lr, $3  }
0x3a: {  	_ = 	snop  }
0x3b: {  	_ = 	snop  }
0x3c: {  	p2 =	seq.s32 s10, $0x1;
	s10 =	sld [smem:$0x3FB6]  }
0x3d: {  	_ =	shalt  }
0x3e: {  	_ =	shalt  }
0x3f: {  	_ =	shalt  }
0x40: {  	_ =	shalt  }
0x41: {  	_ =	shalt  }
0x42: {  	_ =	shalt  }
0x43: {  	_ =	shalt  }
0x44: {  	_ =	shalt  }
0x45: {  	_ =	shalt  }
0x46: {  	_ =	shalt  }
0x47: {  	_ =	shalt  }
0x48: {  	_ =	shalt  }
0x49: {  	_ =	shalt  }
0x4a: {  	_ =	shalt  }
0x4b: {  	_ =	shalt  }
0x4c: {  	_ =	shalt  }
0x4d: {  	_ =	shalt  }
0x4e: {  	_ =	shalt  }
0x4f: {  	_ =	shalt  }
0x50: {  	_ =	shalt  }
0x51: {  	_ =	shalt  }
0x52: {  	_ =	shalt  }
0x53: {  	_ =	shalt  }
0x54: {  	_ =	shalt  }
0x55: {  	_ =	shalt  }
0x56: {  	_ =	shalt  }
0x57: {  	_ =	shalt  }
0x58: {  	_ =	shalt  }
0x59: {  	_ =	shalt  }
0x5a: {  	_ =	shalt  }
0x5b: {  	_ =	shalt  }
0x5c: {  	_ =	shalt  }
0x5d: {  	_ =	shalt  }
0x5e: {  	_ =	shalt  }
0x5f: {  	_ =	shalt  }
0x60: {  	_ =	shalt  }
0x61: {  	_ =	shalt  }
0x62: {  	_ =	shalt  }
0x63: {  	_ =	shalt  }
0x64: {  	_ =	shalt  }
0x65: {  	_ =	shalt  }
0x66: {  	_ =	shalt  }
0x67: {  	_ =	shalt  }
0x68: {  	_ =	shalt  }
0x69: {  	_ =	shalt  }
0x6a: {  	_ =	shalt  }
0x6b: {  	_ =	shalt  }
0x6c: {  	_ =	shalt  }
0x6d: {  	_ =	shalt  }
0x6e: {  	_ =	shalt  }
0x6f: {  	_ =	shalt  }
0x70: {  	_ =	shalt  }
0x71: {  	_ =	shalt  }
0x72: {  	_ =	shalt  }
0x73: {  	_ =	shalt  }
0x74: {  	_ =	shalt  }
0x75: {  	_ =	shalt  }
0x76: {  	_ =	shalt  }
0x77: {  	_ =	shalt  }
0x78: {  	_ =	shalt  }
0x79: {  	_ =	shalt  }
0x7a: {  	_ =	shalt  }
0x7b: {  	_ =	shalt  }
0x7c: {  	_ =	shalt  }
0x7d: {  	_ =	shalt  }
0x7e: {  	_ =	shalt  }
0x7f: {  	_ =	shalt  }
0x80: {  	_ =	shalt  }
0x81: {  	_ =	shalt  }
0x82: {  	_ =	shalt  }
0x83: {  	_ =	shalt  }
0x84: {  	_ =	shalt  }
0x85: {  	_ =	shalt  }
0x86: {  	_ =	shalt  }
0x87: {  	_ =	shalt  }
.Lfunc_end0:
.L_simem_size_0:
called_computation.2_lowered:
.L_overlay_start_0:
0x88: {  	s2 =	sld [smem:$0x3FD9]  }
0x89: {  	s3 =	sld [smem:$0x3FFE];
	_ =	sdelay $0x1  }
0x8a: {  	s1 =	srdreg.scid  }
0x8b: {  	s0 =	sand.u32 $0x1, s1  }
0x8c: {  	s16 =	sshll.u32 s0, $0xA;
	s2 =	sadd.s32 s3, s2  }
0x8d: {  	s2 =	sadd.s32 s2, s16  }
0x8e: {  	[smem:$0x3FC2] =	sst s2  }
0x8f: {  	_ = 	snop  }
0x90: {  	(tm) =	ssettm $0x1  }
0x91: {  	s17 =	sld [smem:$0x3FFB];
	_ =	sdelay $0x3  }
0x92: {  	_ =	strace s17  }
0x93: {  	s2 =	sld [smem:$0x3FFC];
	_ =	sdelay $0x3  }
0x94: {  	_ =	strace s2  }
0x95: {  	s2 =	sld [smem:$0x3FFD];
	_ =	sdelay $0x3  }
0x96: {  	_ =	strace s2  }
0x97: {  	_ =	strace $0x8FFFFFFF  }
0x98: {  	s18 =	sld [smem:$0x3FDB];
	_ =	sdelay $0x1  }
0x99: {  	s19 =	simm.s32 $_scs_section_size  }
0x9a: {  	s4 =	simm.s32 $_size__tile_overlayer_lowered;
	s5 =	simm.s32 $_tile_overlayer_lowered  }
0x9b: {  	s22 =	simm.s32 $0x1BFF;
	s21 =	sshll.u32 s5, $0x1;
	s2 =	sadd.s32 s19, s18  }
0x9c: {  	s6 =	simm.s32 $0x0;
	s20 =	sshll.u32 s4, $0x1;
	s4 =	sadd.s32 s21, s2  }
0x9d: {  	[timem:s6], [sflag:s22] =	dma.local [hbm:s4], s20  }
0x9e: {  	_ =	swait.ge [sflag:s22], s20  }
0x9f: {  	s3 =	ssub.s32 $0x0, s20;
	[sflag:s22] =	ssyncset.done $0x0  }
0xa0: {  	[sflag:s22] =	ssyncadd.s32 s3;
	_ =	sdelay $0x1  }
0xa1: {  	s23 =	simm.s32 $0x1B8B  }
0xa2: {  	_ =	swait.ge [sflag:s23], $0x1  }
0xa3: {  	[sflag:s23] =	ssyncset.done $0x0  }
0xa4: {  	s25 =	simm.s32 $0x1B8E;
	s24 =	sld [smem:$0x3FFE];
	[sflag:s23] =	ssyncadd.s32 $0xFFFFFFFF  }
0xa5: {  	s26 =	simm.s32 $execute0_lowered;
	[smem:$0x3FD2] =	sst s25  }
0xa6: {  	s4 =	sshll.u32 s26, $0x1;
	_ =	strace $0x8000004C;
	[dreg:$0x1] =	wrdreg $0xFFFFFFFF  }
0xa7: {  	s28 =	simm.s32 $_size_execute0_lowered;
	s2 =	sadd.s32 s2, s4;
	[dreg:$0x0] =	wrdreg $0x0  }
0xa8: {  	s4 =	sshll.u32 s28, $0x1;
	[dreg:$0x2] =	wrdreg s2  }
0xa9: {  	[dreg:$0x3] =	wrdreg s4  }
0xaa: {  	[dreg:$0x4] =	wrdreg $0xC0  }
0xab: {  	_ =	task [dreg:s6], $0x5FFFF  }
0xac: {  	[dreg:$0x1] =	wrdreg $0xFFFFFFFF  }
0xad: {  	[dreg:$0x0] =	wrdreg $0x60  }
0xae: {  	[dreg:$0x2] =	wrdreg s24  }
0xaf: {  	[dreg:$0x3] =	wrdreg $0x9  }
0xb0: {  	_ =	task.clear_ibuf [dreg:s6], $0x4FFFF;
	_ =	strace $0x9000004C  }
0xb1: {  	s29 =	simm.s32 $0x9;
	_ =	strace $0x8000004E  }
0xb2: {  	_ =	swait.ge [sflag:s29], $0x1  }
0xb3: {  	[sflag:s29] =	ssyncadd.s32 $0xFFFFFFFF  }
0xb4: {  	_ =	strace $0x9000004E  }
0xb5: {  	_ =	sfence  }
0xb6: {  	s30 =	sld [smem:$0x0];
	_ =	sdelay $0x2  }
0xb7: {  	s31 =	sshll.u32 s1, $0xD;
	s1 =	sshrl.u32 s1, $0x2  }
0xb8: {  	s3 =	sand.u32 $0x4000, s31;
	s1 =	sadd.s32 s1, s30  }
0xb9: {  	s0 =	sor.u32 s3, s0;
	s1 =	sshll.u32 s1, $0x11  }
0xba: {  	s0 =	sor.u32 s1, s0  }
0xbb: {  	s0 =	sadd.s32 $0x8F2B, s0  }
0xbc: {  	[sflag:s0] =	ssyncadd.remote.s32 $0x1  }
0xbd: {  	_ =	sfence.sel $0xFFFF  }
0xbe: {  	[dreg:$0x0] =	wrdreg $0xFFFFFFFF;
	(pc) =	sbr.abs _section_cstart, $3  }
0xbf: {  	[dreg:$0x1] =	wrdreg $0xFFFFFFFF  }
0xc0: {  	_ =	task.clear_ibuf [dreg:s6], $0x2FFFF;
	_ =	strace $0x9FFFFFFF  }
0xc1: {  	(tm) =	ssettm $0x7FFFFFFF  }
tec
execute0_lowered:
.L_overlay_start_1:
0x0: {  	(tag) =	ssettag $0x1  }
0x1: {  	s0 =	srdreg.scid  }
0x2: {  	s4 =	rddreg [dreg:$0x0];
	s2 =	simm.s32 $0x0;
	s8 =	simm.s32 $0x1  }
0x3: {  	s9 =	simm.s32 $0x2800;
	s10 =	simm.s32 $0x5000;
	s3 =	sand.u32 $0x1, s0  }
0x4: {  	s11 =	simm.s32 $0x7800;
	s0 =	stileid.u32;
	s1 =	sshll.u32 s3, $0x4  }
0x5: {  	s12 =	simm.s32 $0x80;
	s13 =	simm.s32 $0x400;
	s5 =	sor.u32 s0, s1  }
0x6: {  	s14 =	simm.s32 $0x0;
	[smem:$0x7FF] =	sst s2;
	s6 =	sshrl.u32 s5, $0x3  }
0x7: {  	s7 =	sshll.u32 s0, $0x7;
	s30 =	ssub.s32 $0x2, s3;
	s6 =	smul.u32 $0x14000, s6  }
0x8: {  	s3 =	sadd.s32 $0xC000, s4;
	s1 =	rddreg [dreg:$0x1];
	s7 =	sand.u32 $0x380, s7  }
0x9: {  	s31 =	sshrl.u32 s30, $0x1;
	s5 =	smul.u32 $0x500, s5;
	s6 =	sor.u32 s7, s6  }
0xa: {  	_ =	strace $0x8000004D;
	s7 =	ssub.s32 s30, s31;
	s6 =	sshrl.u32 s6, $0x3  }
0xb: {  	s5 =	sadd.s32 s5, s4;
	s7 =	smax.u32 s7, $0x1;
	s6 =	sadd.s32 s6, s4  }
0xc: {  	v0 =	vimm.f32 $0.0e+00;
	s4 =	sadd.s32 $0x16000, s5;
	s5 =	sadd.s32 $0x2000, s5;
	s6 =	sadd.s32 $0x20000, s6  }
.LBB2_1:
0xd: {  	[tilespmem:s2], [sflag:$0x1] =	stream.linear.gather [hbm4b:s4+s2], $0x2800, $0x38;
	[tilespmem:$0xA000] =	vst v63  }
0xe: {  	_ =	swait.ge [sflag:s8], $0x2800  }
0xf: {  	[sflag:s8] =	ssyncset.done $0x0  }
0x10: {  	[sflag:s8] =	ssyncadd.s32 $0xFFFFD800  }
0x11: {  	[tilespmem:s9], [sflag:$0x1] =	stream.linear.gather [hbm4b:s5+s2], $0x2800, $0x38;
	[tilespmem:$0xA000] =	vst v63  }
0x12: {  	_ =	swait.ge [sflag:s8], $0x2800  }
0x13: {  	[sflag:s8] =	ssyncset.done $0x0  }
0x14: {  	[sflag:s8] =	ssyncadd.s32 $0xFFFFD800  }
0x15: {  	[tilespmem:s10], [sflag:$0x1] =	stream.linear.gather [hbm4b:s3+s2], $0x2800, $0x38;
	[tilespmem:$0xA000] =	vst v63  }
0x16: {  	_ =	swait.ge [sflag:s8], $0x2800  }
0x17: {  	[sflag:s8] =	ssyncset.done $0x0  }
0x18: {  	s15 =	simm.s32 $0x0;
	[sflag:s8] =	ssyncadd.s32 $0xFFFFD800  }
.LBB2_2:
0x19: {  	p0 =	sne.s32 s15, $0x9FC0  }
.Ltmp0:
0x1a: {  	_ = 	snop;
	(pc) =	sbr.rel @p0 .LBB2_2-.Ltmp0, $3  }
0x1b: {  	_ =	sdelay $0x1  }
0x1c: {  	s16 =	sshra.s32 s15, $0x2  }
0x1d: {  	s15 =	sadd.s32 $0x40, s15;
	[tilespmem:s16+$0x7800] =	vst v0  }
0x1e: {  	s15 =	simm.s32 $0x0  }
.LBB2_4:
0x1f: {  	s16 =	sshra.s32 s15, $0x2  }
0x20: {  	v1 =	vld [tilespmem:s16+$0x0];
	_ =	sdelay $0x4  }
0x21: {  	v2 =	vld [tilespmem:s16+$0x2800];
	_ =	sdelay $0x2  }
0x22: {  	v1 =	vld.idx.msk [tilespmem:v1+s10+$0x0], $0xffff;
	_ =	sdelay $0x4  }
0x23: {  	[tilespmem:v2+s11+$0x0] =	vst.idx.add.f32.msk $0xffff, v1  }
0x24: {  	v1 =	vld [tilespmem:s16+$0x10];
	_ =	sdelay $0x4  }
0x25: {  	v2 =	vld [tilespmem:s16+$0x2810];
	_ =	sdelay $0x2  }
0x26: {  	v1 =	vld.idx.msk [tilespmem:v1+s10+$0x0], $0xffff;
	_ =	sdelay $0x4  }
0x27: {  	[tilespmem:v2+s11+$0x0] =	vst.idx.add.f32.msk $0xffff, v1  }
0x28: {  	v1 =	vld [tilespmem:s16+$0x20];
	_ =	sdelay $0x4  }
0x29: {  	v2 =	vld [tilespmem:s16+$0x2820];
	_ =	sdelay $0x2  }
0x2a: {  	v1 =	vld.idx.msk [tilespmem:v1+s10+$0x0], $0xffff;
	_ =	sdelay $0x4  }
0x2b: {  	[tilespmem:v2+s11+$0x0] =	vst.idx.add.f32.msk $0xffff, v1  }
0x2c: {  	v1 =	vld [tilespmem:s16+$0x30];
	_ =	sdelay $0x4  }
0x2d: {  	v2 =	vld [tilespmem:s16+$0x2830];
	_ =	sdelay $0x2  }
0x2e: {  	v1 =	vld.idx.msk [tilespmem:v1+s10+$0x0], $0xffff;
	_ =	sdelay $0x4  }
0x2f: {  	[tilespmem:v2+s11+$0x0] =	vst.idx.add.f32.msk $0xffff, v1  }
0x30: {  	v1 =	vld [tilespmem:s16+$0x40];
	_ =	sdelay $0x4  }
0x31: {  	v2 =	vld [tilespmem:s16+$0x2840];
	_ =	sdelay $0x2  }
0x32: {  	v1 =	vld.idx.msk [tilespmem:v1+s10+$0x0], $0xffff;
	_ =	sdelay $0x4  }
0x33: {  	[tilespmem:v2+s11+$0x0] =	vst.idx.add.f32.msk $0xffff, v1  }
0x34: {  	v1 =	vld [tilespmem:s16+$0x50];
	_ =	sdelay $0x4  }
0x35: {  	v2 =	vld [tilespmem:s16+$0x2850];
	_ =	sdelay $0x2  }
0x36: {  	v1 =	vld.idx.msk [tilespmem:v1+s10+$0x0], $0xffff;
	_ =	sdelay $0x4  }
0x37: {  	[tilespmem:v2+s11+$0x0] =	vst.idx.add.f32.msk $0xffff, v1  }
0x38: {  	v1 =	vld [tilespmem:s16+$0x60];
	_ =	sdelay $0x4  }
0x39: {  	v2 =	vld [tilespmem:s16+$0x2860];
	_ =	sdelay $0x2  }
0x3a: {  	v1 =	vld.idx.msk [tilespmem:v1+s10+$0x0], $0xffff;
	_ =	sdelay $0x4  }
0x3b: {  	[tilespmem:v2+s11+$0x0] =	vst.idx.add.f32.msk $0xffff, v1  }
0x3c: {  	v1 =	vld [tilespmem:s16+$0x70];
	_ =	sdelay $0x4  }
0x3d: {  	v2 =	vld [tilespmem:s16+$0x2870];
	_ =	sdelay $0x2  }
0x3e: {  	p0 =	sne.s32 s15, $0x9E00;
	v1 =	vld.idx.msk [tilespmem:v1+s10+$0x0], $0xffff  }
.Ltmp1:
0x3f: {  	_ = 	snop;
	(pc) =	sbr.rel @p0 .LBB2_4-.Ltmp1, $2  }
0x40: {  	_ =	sdelay $0x2  }
0x41: {  	s15 =	sadd.s32 $0x200, s15;
	[tilespmem:v2+s11+$0x0] =	vst.idx.add.f32.msk $0xffff, v1  }
0x42: {  	s14 =	sadd.s32 $0x1, s14  }
0x43: {  	p0 =	sne.s32 s14, s7  }
.Ltmp2:
0x44: {  	_ = 	snop;
	(pc) =	sbr.rel @p0 .LBB2_1-.Ltmp2, $4  }
0x45: {  	[hbm4b:s6+s12] =	stream.strided.scatter [tilespmem:s11], [sflag:$0x1], $0x2800, s13, s12, $0x38;
	[tilespmem:$0xA000] =	vst v63  }
0x46: {  	_ =	swait.ge [sflag:s8], $0x2800  }
0x47: {  	[sflag:s8] =	ssyncset.done $0x0  }
0x48: {  	[sflag:s8] =	ssyncadd.s32 $0xFFFFD800  }
0x49: {  	_ =	sfence.sel $0x180000  }
0x4a: {  	[bflag:$0x0] =	sbarrier.arrive $0xFFFF  }
0x4b: {  	p0 =	sne.s32 s0, $0x0;
	_ =	strace $0x9000004D  }
0x4c: {  	s0 =	sadd.s32 @!p0 $0x100000, s1;
	[bflag:$0x2] =	sbarrier.arrive $0xFFFF  }
0x4d: {  	[sflag:s0] =	ssyncadd.tile.s32 @!p0 $0x1;
	_ =	shalt  }
.Lfunc_end2:
_tile_overlayer_lowered:
.L_overlay_start_2:
0x4e: {  	(tag) =	ssettag $0x2  }
0x4f: {  	s0 =	rddreg [dreg:$0x0];
	s2 =	stileid.u32  }
0x50: {  	s1 =	rddreg [dreg:$0x1];
	p0 =	sne.s32 s2, $0x0  }
0x51: {  	s3 =	rddreg [dreg:$0x2];
	[bflag:$0x3] =	sbarrier.arrive $0xFFFF;
	s2 =	simm.s32 @!p0 $0x1C01  }
0x52: {  	[timem:s3], [sflag:s2] =	dma.local @!p0 [hbm:s0], s1  }
0x53: {  	s0 =	simm.s32 @!p0 $0x1  }
0x54: {  	_ =	swait.ge @!p0 [sflag:s0], s1  }
0x55: {  	s1 =	ssub.s32 @!p0 $0x0, s1;
	[sflag:s0] =	ssyncset.done @!p0 $0x0  }
0x56: {  	[sflag:s0] =	ssyncadd.s32 @!p0 s1  }
0x57: {  	[bflag:$0x3] =	sbarrier.arrive $0xFFFF  }
0x58: {  	_ =	shalt  }

// kernel: kernel.8.cloned.1.call-start
scs
__scs_entry_jumppad:
0x0: {  	(pc) =	sbr.rel $0x88, $3  }
0x1: {  	(tag) =	ssettag $0x0;
	lr =	simm.s32 $0x1  }
0x2: {  	[smem:$0x3F9B] =	sst lr;
	_ =	strace $0xD0000000  }
0x3: {  	_ = 	snop  }
0x4: {  	_ = 	snop  }
0x5: {  	_ = 	snop  }
0x6: {  	_ = 	snop  }
0x7: {  	_ = 	snop  }
__scs_overlays_trampoline_lowered:
0x8: {  	[smem:$0x3FAA] =	sst s0  }
0x9: {  	[smem:$0x3FAB] =	sst s1  }
0xa: {  	[smem:$0x3FAC] =	sst s2  }
0xb: {  	[smem:$0x3FAD] =	sst s3  }
0xc: {  	[smem:$0x3FAE] =	sst s4  }
0xd: {  	[smem:$0x3FAF] =	sst s5  }
0xe: {  	[smem:$0x3FB0] =	sst s6  }
0xf: {  	[smem:$0x3FB1] =	sst s7  }
0x10: {  	[smem:$0x3FB2] =	sst s8  }
0x11: {  	[smem:$0x3FB3] =	sst s9;
	s0 =	simm.s32 @!p0 $0x0  }
0x12: {  	s1 =	sld [smem:$0x3F99];
	s0 =	simm.s32 @p0 $0x1  }
0x13: {  	[smem:$0x3FB4] =	sst s0;
	s0 =	simm.s32 @!p1 $0x0  }
0x14: {  	s2 =	sld [smem:$0x3F98];
	s0 =	simm.s32 @p1 $0x1  }
0x15: {  	[smem:$0x3FB5] =	sst s0;
	s0 =	simm.s32 @!p2 $0x0  }
0x16: {  	s3 =	sld [smem:$0x3FDB];
	s0 =	simm.s32 @p2 $0x1  }
0x17: {  	s4 =	simm.s32 $0x1BF5;
	[smem:$0x3FB7] =	sst s0  }
0x18: {  	s0 =	sld [smem:$0x3F9A];
	_ =	swait.ge [sflag:s4], $0x0  }
0x19: {  	s7 =	sld [smem:$0x3F9B]  }
0x1a: {  	s8 =	sadd.s32 $0xFFFFE003, lr  }
0x1b: {  	s9 =	sadd.s32 $0xFFFFFEF7, lr;
	s5 =	simm.s32 $0xFFFFFFFF;
	p2 =	slt.u32 s8, $0xFFFFF086  }
0x1c: {  	p1 =	slt.u32 s9, $0xF7A;
	s5 =	simm.s32 @!p2 $0x0  }
0x1d: {  	s5 =	simm.s32 @p1 $0x1;
	p0 =	seq.s32 s7, s2  }
0x1e: {  	s7 =	smul.u32 @!p0 $0xF7A, s2;
	p2 =	seq.s32 @!p0 s5, $0x0  }
0x1f: {  	s9 =	smul.u32 $0xF7A, s1;
	s8 =	simm.s32 @!p0 $0x1BF5;
	p2 =	por !p2, p0  }
0x20: {  	[sflag:s8] =	ssyncset.s32 @!p0 $0xFFFFF086;
	s6 =	sadd.s32 @!p0 s3, s7;
	s7 =	simm.s32 @!p0 $0x108  }
0x21: {  	s3 =	sadd.s32 s3, s9;
	s6 =	sadd.s32 @!p0 $0x88, s6;
	s7 =	simm.s32 @p2 $0x1082  }
0x22: {  	[simem:s7], [sflag:s8] =	dma.local @!p0 [hbm:s6], $0xF7A  }
0x23: {  	s9 =	sor.u32 $0xD0000000, s2;
	s6 =	simm.s32 $0x108;
	_ =	swait.ge @!p0 [sflag:s8], $0x0  }
0x24: {  	s3 =	sadd.s32 $0x88, s3;
	s6 =	simm.s32 @!p1 $0x1082;
	[sflag:s4] =	ssyncset.s32 $0xFFFFF086  }
0x25: {  	[simem:s6], [sflag:s4] =	dma.local [hbm:s3], $0xF7A  }
0x26: {  	[smem:$0x3F9B] =	sst s1;
	(tag) =	ssettag s2;
	_ =	strace s9  }
0x27: {  	s1 =	sld [smem:$0x3FAB]  }
0x28: {  	s2 =	sld [smem:$0x3FAC]  }
0x29: {  	s4 =	sld [smem:$0x3FAE]  }
0x2a: {  	p0 =	seq.s32 s5, $0x0;
	s5 =	sld [smem:$0x3FAF]  }
0x2b: {  	s6 =	sld [smem:$0x3FB0]  }
0x2c: {  	s7 =	sld [smem:$0x3FB1]  }
0x2d: {  	s3 =	simm.s32 $0x108;
	s8 =	sld [smem:$0x3FB2]  }
0x2e: {  	s3 =	simm.s32 @!p0 $0x1082;
	s9 =	sld [smem:$0x3FB3]  }
0x2f: {  	lr =	sadd.s32 s0, s3;
	s0 =	sld [smem:$0x3FAA]  }
0x30: {  	s3 =	sld [smem:$0x3FAD]  }
0x31: {  	[smem:$0x3FB6] =	sst s10  }
0x32: {  	s10 =	sld [smem:$0x3FB4];
	_ =	sdelay $0x3  }
0x33: {  	p0 =	seq.s32 s10, $0x1;
	s10 =	sld [smem:$0x3FB6];
	_ =	sdelay $0x3  }
0x34: {  	[smem:$0x3FB6] =	sst s10  }
0x35: {  	s10 =	sld [smem:$0x3FB5];
	_ =	sdelay $0x3  }
0x36: {  	p1 =	seq.s32 s10, $0x1;
	s10 =	sld [smem:$0x3FB6];
	_ =	sdelay $0x3  }
0x37: {  	[smem:$0x3FB6] =	sst s10  }
0x38: {  	s10 =	sld [smem:$0x3FB7]  }
0x39: {  	_ = 	snop;
	(pc) =	sbr.ind lr, $3  }
0x3a: {  	_ = 	snop  }
0x3b: {  	_ = 	snop  }
0x3c: {  	p2 =	seq.s32 s10, $0x1;
	s10 =	sld [smem:$0x3FB6]  }
0x3d: {  	_ =	shalt  }
0x3e: {  	_ =	shalt  }
0x3f: {  	_ =	shalt  }
0x40: {  	_ =	shalt  }
0x41: {  	_ =	shalt  }
0x42: {  	_ =	shalt  }
0x43: {  	_ =	shalt  }
0x44: {  	_ =	shalt  }
0x45: {  	_ =	shalt  }
0x46: {  	_ =	shalt  }
0x47: {  	_ =	shalt  }
0x48: {  	_ =	shalt  }
0x49: {  	_ =	shalt  }
0x4a: {  	_ =	shalt  }
0x4b: {  	_ =	shalt  }
0x4c: {  	_ =	shalt  }
0x4d: {  	_ =	shalt  }
0x4e: {  	_ =	shalt  }
0x4f: {  	_ =	shalt  }
0x50: {  	_ =	shalt  }
0x51: {  	_ =	shalt  }
0x52: {  	_ =	shalt  }
0x53: {  	_ =	shalt  }
0x54: {  	_ =	shalt  }
0x55: {  	_ =	shalt  }
0x56: {  	_ =	shalt  }
0x57: {  	_ =	shalt  }
0x58: {  	_ =	shalt  }
0x59: {  	_ =	shalt  }
0x5a: {  	_ =	shalt  }
0x5b: {  	_ =	shalt  }
0x5c: {  	_ =	shalt  }
0x5d: {  	_ =	shalt  }
0x5e: {  	_ =	shalt  }
0x5f: {  	_ =	shalt  }
0x60: {  	_ =	shalt  }
0x61: {  	_ =	shalt  }
0x62: {  	_ =	shalt  }
0x63: {  	_ =	shalt  }
0x64: {  	_ =	shalt  }
0x65: {  	_ =	shalt  }
0x66: {  	_ =	shalt  }
0x67: {  	_ =	shalt  }
0x68: {  	_ =	shalt  }
0x69: {  	_ =	shalt  }
0x6a: {  	_ =	shalt  }
0x6b: {  	_ =	shalt  }
0x6c: {  	_ =	shalt  }
0x6d: {  	_ =	shalt  }
0x6e: {  	_ =	shalt  }
0x6f: {  	_ =	shalt  }
0x70: {  	_ =	shalt  }
0x71: {  	_ =	shalt  }
0x72: {  	_ =	shalt  }
0x73: {  	_ =	shalt  }
0x74: {  	_ =	shalt  }
0x75: {  	_ =	shalt  }
0x76: {  	_ =	shalt  }
0x77: {  	_ =	shalt  }
0x78: {  	_ =	shalt  }
0x79: {  	_ =	shalt  }
0x7a: {  	_ =	shalt  }
0x7b: {  	_ =	shalt  }
0x7c: {  	_ =	shalt  }
0x7d: {  	_ =	shalt  }
0x7e: {  	_ =	shalt  }
0x7f: {  	_ =	shalt  }
0x80: {  	_ =	shalt  }
0x81: {  	_ =	shalt  }
0x82: {  	_ =	shalt  }
0x83: {  	_ =	shalt  }
0x84: {  	_ =	shalt  }
0x85: {  	_ =	shalt  }
0x86: {  	_ =	shalt  }
0x87: {  	_ =	shalt  }
.Lfunc_end0:
.L_simem_size_0:
called_computation_lowered:
.L_overlay_start_0:
0x88: {  	s2 =	sld [smem:$0x3FD9]  }
0x89: {  	s3 =	sld [smem:$0x3FFE];
	_ =	sdelay $0x1  }
0x8a: {  	s1 =	srdreg.scid  }
0x8b: {  	s0 =	sand.u32 $0x1, s1  }
0x8c: {  	s16 =	sshll.u32 s0, $0xA;
	s2 =	sadd.s32 s3, s2  }
0x8d: {  	s2 =	sadd.s32 s2, s16  }
0x8e: {  	[smem:$0x3FC2] =	sst s2  }
0x8f: {  	_ = 	snop  }
0x90: {  	(tm) =	ssettm $0x1  }
0x91: {  	s17 =	sld [smem:$0x3FFB];
	_ =	sdelay $0x3  }
0x92: {  	_ =	strace s17  }
0x93: {  	s2 =	sld [smem:$0x3FFC];
	_ =	sdelay $0x3  }
0x94: {  	_ =	strace s2  }
0x95: {  	s2 =	sld [smem:$0x3FFD];
	_ =	sdelay $0x3  }
0x96: {  	_ =	strace s2  }
0x97: {  	_ =	strace $0x8FFFFFFF  }
0x98: {  	s18 =	sld [smem:$0x3FDB];
	_ =	sdelay $0x1  }
0x99: {  	s19 =	simm.s32 $_scs_section_size  }
0x9a: {  	s4 =	simm.s32 $_size__tile_overlayer_lowered;
	s5 =	simm.s32 $_tile_overlayer_lowered  }
0x9b: {  	s22 =	simm.s32 $0x1BFF;
	s21 =	sshll.u32 s5, $0x1;
	s2 =	sadd.s32 s19, s18  }
0x9c: {  	s6 =	simm.s32 $0x0;
	s20 =	sshll.u32 s4, $0x1;
	s4 =	sadd.s32 s21, s2  }
0x9d: {  	[timem:s6], [sflag:s22] =	dma.local [hbm:s4], s20  }
0x9e: {  	_ =	swait.ge [sflag:s22], s20  }
0x9f: {  	s3 =	ssub.s32 $0x0, s20;
	[sflag:s22] =	ssyncset.done $0x0  }
0xa0: {  	[sflag:s22] =	ssyncadd.s32 s3;
	_ =	sdelay $0x1  }
0xa1: {  	s23 =	simm.s32 $0x1B8B  }
0xa2: {  	_ =	swait.ge [sflag:s23], $0x1  }
0xa3: {  	[sflag:s23] =	ssyncset.done $0x0  }
0xa4: {  	s25 =	simm.s32 $0x1B8E;
	s24 =	sld [smem:$0x3FFE];
	[sflag:s23] =	ssyncadd.s32 $0xFFFFFFFF  }
0xa5: {  	s26 =	simm.s32 $execute0_lowered;
	[smem:$0x3FD2] =	sst s25  }
0xa6: {  	s4 =	sshll.u32 s26, $0x1;
	_ =	strace $0x80000046;
	[dreg:$0x1] =	wrdreg $0xFFFFFFFF  }
0xa7: {  	s28 =	simm.s32 $_size_execute0_lowered;
	s2 =	sadd.s32 s2, s4;
	[dreg:$0x0] =	wrdreg $0x0  }
0xa8: {  	s4 =	sshll.u32 s28, $0x1;
	[dreg:$0x2] =	wrdreg s2  }
0xa9: {  	[dreg:$0x3] =	wrdreg s4  }
0xaa: {  	[dreg:$0x4] =	wrdreg $0xC0  }
0xab: {  	_ =	task [dreg:s6], $0x5FFFF  }
0xac: {  	[dreg:$0x1] =	wrdreg $0xFFFFFFFF  }
0xad: {  	[dreg:$0x0] =	wrdreg $0x60  }
0xae: {  	[dreg:$0x2] =	wrdreg s24  }
0xaf: {  	[dreg:$0x3] =	wrdreg $0x9  }
0xb0: {  	_ =	task.clear_ibuf [dreg:s6], $0x4FFFF;
	_ =	strace $0x90000046  }
0xb1: {  	s29 =	simm.s32 $0x9;
	_ =	strace $0x80000048  }
0xb2: {  	_ =	swait.ge [sflag:s29], $0x1  }
0xb3: {  	[sflag:s29] =	ssyncadd.s32 $0xFFFFFFFF  }
0xb4: {  	_ =	strace $0x90000048  }
0xb5: {  	_ =	sfence  }
0xb6: {  	s30 =	sld [smem:$0x0];
	_ =	sdelay $0x2  }
0xb7: {  	s31 =	sshll.u32 s1, $0xD;
	s1 =	sshrl.u32 s1, $0x2  }
0xb8: {  	s3 =	sand.u32 $0x4000, s31;
	s1 =	sadd.s32 s1, s30  }
0xb9: {  	s0 =	sor.u32 s3, s0;
	s1 =	sshll.u32 s1, $0x11  }
0xba: {  	s0 =	sor.u32 s1, s0  }
0xbb: {  	s0 =	sadd.s32 $0x8F2B, s0  }
0xbc: {  	[sflag:s0] =	ssyncadd.remote.s32 $0x1  }
0xbd: {  	_ =	sfence.sel $0xFFFF  }
0xbe: {  	[dreg:$0x0] =	wrdreg $0xFFFFFFFF;
	(pc) =	sbr.abs _section_cstart, $3  }
0xbf: {  	[dreg:$0x1] =	wrdreg $0xFFFFFFFF  }
0xc0: {  	_ =	task.clear_ibuf [dreg:s6], $0x2FFFF;
	_ =	strace $0x9FFFFFFF  }
0xc1: {  	(tm) =	ssettm $0x7FFFFFFF  }
tec
execute0_lowered:
.L_overlay_start_1:
0x0: {  	(tag) =	ssettag $0x1  }
0x1: {  	s0 =	srdreg.scid  }
0x2: {  	s5 =	rddreg [dreg:$0x0];
	s3 =	sand.u32 $0x1, s0  }
0x3: {  	s2 =	simm.s32 $0x0;
	s0 =	stileid.u32;
	s1 =	sshll.u32 s3, $0x4  }
0x4: {  	s8 =	simm.s32 $0x80;
	s9 =	simm.s32 $0x400;
	s4 =	sor.u32 s0, s1  }
0x5: {  	s10 =	simm.s32 $0x0;
	[smem:$0x7FF] =	sst s2;
	s1 =	sshrl.u32 s4, $0x3  }
0x6: {  	s7 =	sshll.u32 s0, $0x7;
	s3 =	ssub.s32 $0x2, s3;
	s6 =	smul.u32 $0x14000, s1  }
0x7: {  	s7 =	sand.u32 $0x380, s7;
	s31 =	sshrl.u32 s3, $0x1;
	s4 =	smul.u32 $0x500, s4  }
0x8: {  	s1 =	rddreg [dreg:$0x1];
	_ =	strace $0x80000047;
	s6 =	sor.u32 s7, s6  }
0x9: {  	s4 =	sadd.s32 s4, s5;
	s7 =	simm.s32 $0x2800;
	s6 =	sshrl.u32 s6, $0x3  }
0xa: {  	s5 =	sadd.s32 s6, s5;
	s6 =	ssub.s32 s3, s31;
	s3 =	sadd.s32 $0x2000, s4  }
0xb: {  	v0 =	vimm.f32 $0.0e+00;
	v1 =	vimm.f32 $1.000000000e+00;
	s4 =	sadd.s32 $0xC000, s5;
	s5 =	smax.u32 s6, $0x1;
	s6 =	simm.s32 $0x1  }
.LBB2_1:
0xc: {  	[tilespmem:s2], [sflag:$0x1] =	stream.linear.gather [hbm4b:s3+s2], $0x2800, $0x38;
	[tilespmem:$0x5000] =	vst v63  }
0xd: {  	_ =	swait.ge [sflag:s6], $0x2800  }
0xe: {  	[sflag:s6] =	ssyncset.done $0x0  }
0xf: {  	s11 =	simm.s32 $0x0;
	[sflag:s6] =	ssyncadd.s32 $0xFFFFD800  }
.LBB2_2:
0x10: {  	p0 =	sne.s32 s11, $0x9FC0  }
.Ltmp0:
0x11: {  	_ = 	snop;
	(pc) =	sbr.rel @p0 .LBB2_2-.Ltmp0, $3  }
0x12: {  	_ =	sdelay $0x1  }
0x13: {  	s12 =	sshra.s32 s11, $0x2  }
0x14: {  	s11 =	sadd.s32 $0x40, s11;
	[tilespmem:s12+$0x2800] =	vst v0  }
0x15: {  	s11 =	simm.s32 $0x0  }
.LBB2_4:
0x16: {  	s12 =	sshra.s32 s11, $0x2  }
0x17: {  	v2 =	vld [tilespmem:s12+$0x0];
	_ =	sdelay $0x7  }
0x18: {  	[tilespmem:v2+s7+$0x0] =	vst.idx.add.f32.msk $0xffff, v1  }
0x19: {  	v2 =	vld [tilespmem:s12+$0x10];
	_ =	sdelay $0x7  }
0x1a: {  	[tilespmem:v2+s7+$0x0] =	vst.idx.add.f32.msk $0xffff, v1  }
0x1b: {  	v2 =	vld [tilespmem:s12+$0x20];
	_ =	sdelay $0x7  }
0x1c: {  	[tilespmem:v2+s7+$0x0] =	vst.idx.add.f32.msk $0xffff, v1  }
0x1d: {  	v2 =	vld [tilespmem:s12+$0x30];
	_ =	sdelay $0x7  }
0x1e: {  	[tilespmem:v2+s7+$0x0] =	vst.idx.add.f32.msk $0xffff, v1  }
0x1f: {  	v2 =	vld [tilespmem:s12+$0x40];
	_ =	sdelay $0x7  }
0x20: {  	[tilespmem:v2+s7+$0x0] =	vst.idx.add.f32.msk $0xffff, v1  }
0x21: {  	v2 =	vld [tilespmem:s12+$0x50];
	_ =	sdelay $0x7  }
0x22: {  	[tilespmem:v2+s7+$0x0] =	vst.idx.add.f32.msk $0xffff, v1  }
0x23: {  	v2 =	vld [tilespmem:s12+$0x60];
	_ =	sdelay $0x7  }
0x24: {  	[tilespmem:v2+s7+$0x0] =	vst.idx.add.f32.msk $0xffff, v1  }
0x25: {  	v2 =	vld [tilespmem:s12+$0x70];
	_ =	sdelay $0x2  }
0x26: {  	p0 =	sne.s32 s11, $0x9E00  }
.Ltmp1:
0x27: {  	_ = 	snop;
	(pc) =	sbr.rel @p0 .LBB2_4-.Ltmp1, $2  }
0x28: {  	_ =	sdelay $0x2  }
0x29: {  	s11 =	sadd.s32 $0x200, s11;
	[tilespmem:v2+s7+$0x0] =	vst.idx.add.f32.msk $0xffff, v1  }
0x2a: {  	s10 =	sadd.s32 $0x1, s10  }
0x2b: {  	p0 =	sne.s32 s10, s5  }
.Ltmp2:
0x2c: {  	_ = 	snop;
	(pc) =	sbr.rel @p0 .LBB2_1-.Ltmp2, $4  }
0x2d: {  	[hbm4b:s4+s8] =	stream.strided.scatter [tilespmem:s7], [sflag:$0x1], $0x2800, s9, s8, $0x38;
	[tilespmem:$0x5000] =	vst v63  }
0x2e: {  	_ =	swait.ge [sflag:s6], $0x2800  }
0x2f: {  	[sflag:s6] =	ssyncset.done $0x0  }
0x30: {  	[sflag:s6] =	ssyncadd.s32 $0xFFFFD800  }
0x31: {  	_ =	sfence.sel $0x180000  }
0x32: {  	[bflag:$0x0] =	sbarrier.arrive $0xFFFF  }
0x33: {  	p0 =	sne.s32 s0, $0x0;
	_ =	strace $0x90000047  }
0x34: {  	s0 =	sadd.s32 @!p0 $0x100000, s1;
	[bflag:$0x2] =	sbarrier.arrive $0xFFFF  }
0x35: {  	[sflag:s0] =	ssyncadd.tile.s32 @!p0 $0x1;
	_ =	shalt  }
.Lfunc_end2:
_tile_overlayer_lowered:
.L_overlay_start_2:
0x36: {  	(tag) =	ssettag $0x2  }
0x37: {  	s0 =	rddreg [dreg:$0x0];
	s2 =	stileid.u32  }
0x38: {  	s1 =	rddreg [dreg:$0x1];
	p0 =	sne.s32 s2, $0x0  }
0x39: {  	s3 =	rddreg [dreg:$0x2];
	[bflag:$0x3] =	sbarrier.arrive $0xFFFF;
	s2 =	simm.s32 @!p0 $0x1C01  }
0x3a: {  	[timem:s3], [sflag:s2] =	dma.local @!p0 [hbm:s0], s1  }
0x3b: {  	s0 =	simm.s32 @!p0 $0x1  }
0x3c: {  	_ =	swait.ge @!p0 [sflag:s0], s1  }
0x3d: {  	s1 =	ssub.s32 @!p0 $0x0, s1;
	[sflag:s0] =	ssyncset.done @!p0 $0x0  }
0x3e: {  	[sflag:s0] =	ssyncadd.s32 @!p0 s1  }
0x3f: {  	[bflag:$0x3] =	sbarrier.arrive $0xFFFF  }
0x40: {  	_ =	shalt  }

</sc_bundles>
